<compile_context>
chip_gen: v7x
topology: tpu7x:2x2x1
jax: 0.10.2.dev20260603
libtpu: 0.0.44.dev20260713+nightly
codegen_flags: <defaults>
</compile_context>

<pallas_src>
import dataclasses
import functools

import jax
import jax.numpy as jnp
from jax import lax
from jax.experimental import pallas as pl
from jax.experimental.pallas import tpu as pltpu
from jax.experimental.pallas import tpu_sc as plsc

_LANES = 16
_R = 8
_NW = 32


def kernel(features, nodes, to_neighs, num_sample):
    del nodes, num_sample
    n_nodes, d = features.shape
    b, s = to_neighs.shape
    assert b % _R == 0 and d % (2 * _LANES) == 0
    chunks = b // _R
    w = _R * s
    max_per_tile = -(-chunks // _NW)
    idx_flat = to_neighs.reshape(b * s)
    scale = jnp.float32(1.0 / s)
    groups = d // (2 * _LANES)

    feat_i32 = jax.lax.bitcast_convert_type(
        features.astype(jnp.bfloat16).reshape(n_nodes, d // 2, 2), jnp.int32)

    mesh = plsc.VectorSubcoreMesh(core_axis_name="c", subcore_axis_name="s")

    cp = pltpu.CompilerParams()
    if "needs_layout_passes" in pltpu.CompilerParams.__dataclass_fields__:
        cp = dataclasses.replace(cp, needs_layout_passes=False)

    @functools.partial(
        pl.kernel,
        out_type=jax.ShapeDtypeStruct((b, d), features.dtype),
        mesh=mesh,
        compiler_params=cp,
        scratch_types=[
            pltpu.VMEM((max_per_tile * w,), jnp.int32),
            pltpu.VMEM((4, w, d // 2), jnp.int32),
            pltpu.VMEM((2, _R, d), jnp.float32),
            pltpu.SemaphoreType.DMA,
            pltpu.SemaphoreType.DMA,
            pltpu.SemaphoreType.DMA,
            pltpu.SemaphoreType.DMA,
            pltpu.SemaphoreType.DMA,
            pltpu.SemaphoreType.DMA,
        ],
    )
    def run(feat_hbm, idx_hbm, out_hbm, idx_v, gbuf, obuf,
            gs0, gs1, gs2, gs3, os0, os1):
        cid = lax.axis_index("c")
        sid = lax.axis_index("s")
        wid = sid * 2 + cid
        start = (wid * chunks) // _NW
        n = ((wid + 1) * chunks) // _NW - start

        pltpu.sync_copy(idx_hbm.at[pl.ds(start * w, max_per_tile * w)], idx_v)

        gsems = (gs0, gs1, gs2, gs3)
        osems = (os0, os1)

        def g_copy(k, p):
            return pltpu.make_async_copy(
                feat_hbm.at[idx_v.at[pl.ds(k * w, w)]], gbuf.at[p], gsems[p])

        def o_copy(k, p):
            return pltpu.make_async_copy(
                obuf.at[p], out_hbm.at[pl.ds((start + k) * _R, _R)], osems[p])

        def tree(vals):
            while len(vals) > 1:
                vals = [vals[i] + vals[i + 1]
                        for i in range(0, len(vals) - 1, 2)] + (
                            [vals[-1]] if len(vals) % 2 else [])
            return vals[0]

        def compute(gp, op):
            g = gbuf.at[gp]
            o = obuf.at[op]

            iota2 = 2 * lax.iota(jnp.int32, _LANES)

            @pl.loop(0, _R)
            def _(r):
                row = jnp.full((_LANES,), r, jnp.int32)

                @plsc.parallel_loop(0, d // 2, step=_LANES, unroll=2)
                def _(c):
                    acc = tree([
                        plsc.bitcast(g.at[r * s + j, pl.ds(c, _LANES)][...],
                                     jnp.bfloat16)
                        for j in range(s)])
                    lo, hi = plsc.unpack(
                        acc, format=plsc.PackFormat.INTERLEAVED,
                        preferred_element_type=jnp.float32)
                    cols = iota2 + 2 * c
                    plsc.store_scatter(o, [row, cols], lo * scale)
                    plsc.store_scatter(o, [row, cols + 1], hi * scale)

        def step(k, gp, op):
            g_copy(k, gp).wait()
            @pl.when(k >= 2)
            def _():
                o_copy(k - 2, op).wait()

            compute(gp, op)
            o_copy(k, op).start()

            @pl.when(k + 4 < n)
            def _():
                g_copy(k + 4, gp).start()

        g_copy(0, 0).start()
        g_copy(1, 1).start()
        g_copy(2, 2).start()
        g_copy(3, 3).start()

        @pl.loop(0, (max_per_tile + 3) // 4)
        def _(gi):
            k0 = 4 * gi
            for off in range(4):
                @pl.when(k0 + off < n)
                def _():
                    step(k0 + off, off, off % 2)

        last_even = ((n - 1) // 2) * 2
        last_odd = ((n - 2) // 2) * 2 + 1
        o_copy(last_even, 0).wait()
        o_copy(last_odd, 1).wait()

    return run(feat_i32, idx_flat)

# --- scband reference (transcript-rebuilt; emitter-appended) ---
"""Pipeline reference for scband-mean-aggregator-38079180047088 (READ-ONLY COPY).

The authoritative reference and input builder live on the scoring server;
editing this copy changes nothing except your own understanding.
"""

import jax, jax.numpy as jnp
import numpy as np

N_NODES = 10000
D_FEAT = 256
BATCH = 10000
NUM_SAMPLE = 16


def setup_inputs(seed: int = 0) -> dict:
    key = jax.random.key(seed)
    k1, k2 = jax.random.split(key)
    # learned/raw feature table (the `features` ctor arg, materialized as a matrix)
    features = jax.random.normal(k1, (N_NODES, D_FEAT), dtype=jnp.float32)
    # batch of node ids
    nodes = jnp.arange(BATCH, dtype=jnp.int32)
    # pre-sampled neighbor ids: tensorized version of `to_neighs` after
    # random.sample(to_neigh, num_sample). Sampling w/o replacement -> no dupes,
    # so each row of the original 0/1 mask has exactly NUM_SAMPLE ones.
    to_neighs = jax.random.randint(k2, (BATCH, NUM_SAMPLE), 0, N_NODES, dtype=jnp.int32)
    return {"features": features, "nodes": nodes, "to_neighs": to_neighs, "num_sample": NUM_SAMPLE}


def reference(features, nodes, to_neighs, num_sample):
    # original: build row-normalized incidence mask over unique sampled nodes,
    # gather embed_matrix = features[unique_nodes], then mask.mm(embed_matrix).
    # Mathematically this equals: gather sampled-neighbor features and average
    # each row (mask row sums to num_neigh, divided out before the matmul).
    embed = jnp.take(features, to_neighs, axis=0)          # [B, S, D] gather
    num_neigh = jnp.full((to_neighs.shape[0], 1), to_neighs.shape[1], dtype=features.dtype)
    to_feats = jnp.sum(embed, axis=1) / num_neigh          # mask.div(num_neigh) then mm
    # to_feats[to_feats != to_feats] = 0  (NaN scrub for isolated nodes)
    to_feats = jnp.where(jnp.isnan(to_feats), jnp.zeros_like(to_feats), to_feats)
    return to_feats

if __name__ == "__main__":
    import jax
    _d = setup_inputs()
    print(jax.jit(kernel)(*tuple(_d.values())))

</pallas_src>

<mosaic_0001>
#map = affine_map<(d0, d1) -> (0, 0)>
#map1 = affine_map<(d0, d1) -> (0)>
module attributes {stable_mosaic.version = 14 : i64} {
  func.func @_rewritten_body(%arg0: i32, %arg1: i32, %arg2: memref<10000x128xi32, #tpu.memory_space<hbm>>, %arg3: memref<160000xi32, #tpu.memory_space<hbm>>, %arg4: memref<1xf32, #tpu.memory_space<hbm>>, %arg5: memref<10000x256xf32, #tpu.memory_space<hbm>>, %arg6: memref<5120xi32, #tpu.memory_space<vmem>>, %arg7: memref<4x128x128xi32, #tpu.memory_space<vmem>>, %arg8: memref<2x8x256xf32, #tpu.memory_space<vmem>>, %arg9: memref<!tpu.dma_semaphore, #tpu.memory_space<semaphore_mem>>, %arg10: memref<!tpu.dma_semaphore, #tpu.memory_space<semaphore_mem>>, %arg11: memref<!tpu.dma_semaphore, #tpu.memory_space<semaphore_mem>>, %arg12: memref<!tpu.dma_semaphore, #tpu.memory_space<semaphore_mem>>, %arg13: memref<!tpu.dma_semaphore, #tpu.memory_space<semaphore_mem>>, %arg14: memref<!tpu.dma_semaphore, #tpu.memory_space<semaphore_mem>>) attributes {dimension_semantics = [#tpu.dimension_semantics<core_parallel>, #tpu.dimension_semantics<subcore_parallel>], iteration_bounds = array<i64: 2, 16>, scalar_prefetch = 0 : i64, scratch_operands = 9 : i64, tpu.core_type = #tpu.core_type<sc_vector_subcore>, window_params = [{transform_indices = #map}, {transform_indices = #map1}, {transform_indices = #map1}, {transform_indices = #map}]} {
    %empty_ref3A = memref.alloca() : memref<16xf32, #tpu.memory_space<vmem>>
    "tpu.region"() ({
      %run_scoped3A = tpu.sem_alloc : memref<!tpu.dma_semaphore, #tpu.memory_space<semaphore_mem>>
      %dma_start3A_183 = arith.constant 0 : i32
      %dma_start3A_184 = tpu.memref_slice %empty_ref3A[%dma_start3A_183] : memref<16xf32, #tpu.memory_space<vmem>> -> memref<1xf32, #tpu.memory_space<vmem>>
      %dma_start3A_185 = arith.constant 0 : i32
      %dma_start3A_186 = tpu.memref_slice %empty_ref3A[%dma_start3A_185] : memref<16xf32, #tpu.memory_space<vmem>> -> memref<1xf32, #tpu.memory_space<vmem>>
      tpu.enqueue_dma source(%arg4 : memref<1xf32, #tpu.memory_space<hbm>>) target(%dma_start3A_186 : memref<1xf32, #tpu.memory_space<vmem>>) target_semaphore(%run_scoped3A : memref<!tpu.dma_semaphore, #tpu.memory_space<semaphore_mem>>)
      %dma_wait3A_187 = arith.constant 0 : i32
      %dma_wait3A_188 = tpu.memref_slice %empty_ref3A[%dma_wait3A_187] : memref<16xf32, #tpu.memory_space<vmem>> -> memref<1xf32, #tpu.memory_space<vmem>>
      %dma_wait3A_189 = arith.constant 0 : i32
      %dma_wait3A_190 = tpu.memref_slice %empty_ref3A[%dma_wait3A_189] : memref<16xf32, #tpu.memory_space<vmem>> -> memref<1xf32, #tpu.memory_space<vmem>>
      tpu.wait_dma2 semaphore(%run_scoped3A : memref<!tpu.dma_semaphore, #tpu.memory_space<semaphore_mem>>) src(%arg4 : memref<1xf32, #tpu.memory_space<hbm>>) dst(%dma_wait3A_190 : memref<1xf32, #tpu.memory_space<vmem>>)
      tpu.yield
    }) : () -> ()
    %get3A = arith.constant 0 : index
    %get3A_0 = tpu.vector_load %empty_ref3A[%get3A] {strides = array<i32>} : memref<16xf32, #tpu.memory_space<vmem>>, vector<16xf32>,
    %slice3A = vector.extract_strided_slice %get3A_0 {offsets = [0], sizes = [1], strides = [1]} : vector<16xf32> to vector<1xf32>
    %squeeze3A = vector.extract %slice3A[0] : f32 from vector<1xf32>
    %mul3A = arith.constant 2 : i32
    %mul3A_1 = arith.muli %arg1, %mul3A : i32
    %add3A = arith.addi %mul3A_1, %arg0 : i32
    %mul3A_2 = arith.constant 1250 : i32
    %mul3A_3 = arith.muli %add3A, %mul3A_2 : i32
    %jit3A = arith.constant 32 : i32
    %div3A = arith.divsi %mul3A_3, %jit3A : i32
    %sign3A = arith.constant 0 : i32
    %sign3A_4 = arith.cmpi sgt, %mul3A_3, %sign3A : i32
    %sign3A_5 = arith.extui %sign3A_4 : i1 to i32
    %sign3A_6 = arith.constant 0 : i32
    %sign3A_7 = arith.cmpi slt, %mul3A_3, %sign3A_6 : i32
    %sign3A_8 = arith.extui %sign3A_7 : i1 to i32
    %sign3A_9 = arith.subi %sign3A_5, %sign3A_8 : i32
    %sign3A_10 = arith.constant 0 : i32
    %sign3A_11 = arith.cmpi sgt, %jit3A, %sign3A_10 : i32
    %sign3A_12 = arith.extui %sign3A_11 : i1 to i32
    %sign3A_13 = arith.constant 0 : i32
    %sign3A_14 = arith.cmpi slt, %jit3A, %sign3A_13 : i32
    %sign3A_15 = arith.extui %sign3A_14 : i1 to i32
    %sign3A_16 = arith.subi %sign3A_12, %sign3A_15 : i32
    %ne3A = arith.cmpi ne, %sign3A_9, %sign3A_16 : i32
    %rem3A = arith.remsi %mul3A_3, %jit3A : i32
    %ne3A_17 = arith.constant 0 : i32
    %ne3A_18 = arith.cmpi ne, %rem3A, %ne3A_17 : i32
    %and3A = arith.andi %ne3A, %ne3A_18 : i1
    %sub3A = arith.constant 1 : i32
    %sub3A_19 = arith.subi %div3A, %sub3A : i32
    %select_n3A = arith.select %and3A, %sub3A_19, %div3A : i32
    %add3A_20 = arith.constant 1 : i32
    %add3A_21 = arith.addi %add3A, %add3A_20 : i32
    %mul3A_22 = arith.constant 1250 : i32
    %mul3A_23 = arith.muli %add3A_21, %mul3A_22 : i32
    %jit3A_24 = arith.constant 32 : i32
    %div3A_25 = arith.divsi %mul3A_23, %jit3A_24 : i32
    %sign3A_26 = arith.constant 0 : i32
    %sign3A_27 = arith.cmpi sgt, %mul3A_23, %sign3A_26 : i32
    %sign3A_28 = arith.extui %sign3A_27 : i1 to i32
    %sign3A_29 = arith.constant 0 : i32
    %sign3A_30 = arith.cmpi slt, %mul3A_23, %sign3A_29 : i32
    %sign3A_31 = arith.extui %sign3A_30 : i1 to i32
    %sign3A_32 = arith.subi %sign3A_28, %sign3A_31 : i32
    %sign3A_33 = arith.constant 0 : i32
    %sign3A_34 = arith.cmpi sgt, %jit3A_24, %sign3A_33 : i32
    %sign3A_35 = arith.extui %sign3A_34 : i1 to i32
    %sign3A_36 = arith.constant 0 : i32
    %sign3A_37 = arith.cmpi slt, %jit3A_24, %sign3A_36 : i32
    %sign3A_38 = arith.extui %sign3A_37 : i1 to i32
    %sign3A_39 = arith.subi %sign3A_35, %sign3A_38 : i32
    %ne3A_40 = arith.cmpi ne, %sign3A_32, %sign3A_39 : i32
    %rem3A_41 = arith.remsi %mul3A_23, %jit3A_24 : i32
    %ne3A_42 = arith.constant 0 : i32
    %ne3A_43 = arith.cmpi ne, %rem3A_41, %ne3A_42 : i32
    %and3A_44 = arith.andi %ne3A_40, %ne3A_43 : i1
    %sub3A_45 = arith.constant 1 : i32
    %sub3A_46 = arith.subi %div3A_25, %sub3A_45 : i32
    %select_n3A_47 = arith.select %and3A_44, %sub3A_46, %div3A_25 : i32
    %sub3A_48 = arith.subi %select_n3A_47, %select_n3A : i32
    %mul3A_49 = arith.constant 128 : i32
    %mul3A_50 = arith.muli %select_n3A, %mul3A_49 : i32
    "tpu.region"() ({
      %run_scoped3A = tpu.sem_alloc : memref<!tpu.dma_semaphore, #tpu.memory_space<semaphore_mem>>
      %dma_start3A_183 = tpu.memref_slice %arg3[%mul3A_50] : memref<160000xi32, #tpu.memory_space<hbm>> -> memref<5120xi32, #tpu.memory_space<hbm>>
      %dma_start3A_184 = tpu.memref_slice %arg3[%mul3A_50] : memref<160000xi32, #tpu.memory_space<hbm>> -> memref<5120xi32, #tpu.memory_space<hbm>>
      tpu.enqueue_dma source(%dma_start3A_184 : memref<5120xi32, #tpu.memory_space<hbm>>) target(%arg6 : memref<5120xi32, #tpu.memory_space<vmem>>) target_semaphore(%run_scoped3A : memref<!tpu.dma_semaphore, #tpu.memory_space<semaphore_mem>>)
      %dma_wait3A_185 = tpu.memref_slice %arg3[%mul3A_50] : memref<160000xi32, #tpu.memory_space<hbm>> -> memref<5120xi32, #tpu.memory_space<hbm>>
      %dma_wait3A_186 = tpu.memref_slice %arg3[%mul3A_50] : memref<160000xi32, #tpu.memory_space<hbm>> -> memref<5120xi32, #tpu.memory_space<hbm>>
      tpu.wait_dma2 semaphore(%run_scoped3A : memref<!tpu.dma_semaphore, #tpu.memory_space<semaphore_mem>>) src(%dma_wait3A_186 : memref<5120xi32, #tpu.memory_space<hbm>>) dst(%arg6 : memref<5120xi32, #tpu.memory_space<vmem>>)
      tpu.yield
    }) : () -> ()
    %dma_start3A = arith.constant 0 : i32
    %dma_start3A_51 = arith.constant 0 : i32
    %dma_start3A_52 = arith.constant 0 : i32
    %dma_start3A_53 = tpu.memref_slice %arg7[%dma_start3A, %dma_start3A_51, %dma_start3A_52] : memref<4x128x128xi32, #tpu.memory_space<vmem>> -> memref<1x128x128xi32, #tpu.memory_space<vmem>>
    %dma_start3A_54 = tpu.memref_squeeze %dma_start3A_53 : memref<1x128x128xi32, #tpu.memory_space<vmem>> -> memref<128x128xi32, #tpu.memory_space<vmem>>
    %dma_start3A_55 = arith.constant 0 : i32
    %dma_start3A_56 = tpu.memref_slice %arg6[%dma_start3A_55] : memref<5120xi32, #tpu.memory_space<vmem>> -> memref<128xi32, #tpu.memory_space<vmem>>
    %dma_start3A_57 = arith.constant 0 : i32
    %dma_start3A_58 = arith.constant 0 : i32
    %dma_start3A_59 = tpu.memref_slice %arg2[%dma_start3A_57, %dma_start3A_58] : memref<10000x128xi32, #tpu.memory_space<hbm>> -> memref<10000x128xi32, #tpu.memory_space<hbm>>
    tpu.enqueue_indirect_dma source(%dma_start3A_59 : memref<10000x128xi32, #tpu.memory_space<hbm>>) target(%dma_start3A_54 : memref<128x128xi32, #tpu.memory_space<vmem>>) offsets(%dma_start3A_56 : memref<128xi32, #tpu.memory_space<vmem>>) semaphore(%arg9 : memref<!tpu.dma_semaphore, #tpu.memory_space<semaphore_mem>>)
    %dma_start3A_60 = arith.constant 1 : i32
    %dma_start3A_61 = arith.constant 0 : i32
    %dma_start3A_62 = arith.constant 0 : i32
    %dma_start3A_63 = tpu.memref_slice %arg7[%dma_start3A_60, %dma_start3A_61, %dma_start3A_62] : memref<4x128x128xi32, #tpu.memory_space<vmem>> -> memref<1x128x128xi32, #tpu.memory_space<vmem>>
    %dma_start3A_64 = tpu.memref_squeeze %dma_start3A_63 : memref<1x128x128xi32, #tpu.memory_space<vmem>> -> memref<128x128xi32, #tpu.memory_space<vmem>>
    %dma_start3A_65 = arith.constant 128 : i32
    %dma_start3A_66 = tpu.memref_slice %arg6[%dma_start3A_65] : memref<5120xi32, #tpu.memory_space<vmem>> -> memref<128xi32, #tpu.memory_space<vmem>>
    %dma_start3A_67 = arith.constant 0 : i32
    %dma_start3A_68 = arith.constant 0 : i32
    %dma_start3A_69 = tpu.memref_slice %arg2[%dma_start3A_67, %dma_start3A_68] : memref<10000x128xi32, #tpu.memory_space<hbm>> -> memref<10000x128xi32, #tpu.memory_space<hbm>>
    tpu.enqueue_indirect_dma source(%dma_start3A_69 : memref<10000x128xi32, #tpu.memory_space<hbm>>) target(%dma_start3A_64 : memref<128x128xi32, #tpu.memory_space<vmem>>) offsets(%dma_start3A_66 : memref<128xi32, #tpu.memory_space<vmem>>) semaphore(%arg10 : memref<!tpu.dma_semaphore, #tpu.memory_space<semaphore_mem>>)
    %dma_start3A_70 = arith.constant 2 : i32
    %dma_start3A_71 = arith.constant 0 : i32
    %dma_start3A_72 = arith.constant 0 : i32
    %dma_start3A_73 = tpu.memref_slice %arg7[%dma_start3A_70, %dma_start3A_71, %dma_start3A_72] : memref<4x128x128xi32, #tpu.memory_space<vmem>> -> memref<1x128x128xi32, #tpu.memory_space<vmem>>
    %dma_start3A_74 = tpu.memref_squeeze %dma_start3A_73 : memref<1x128x128xi32, #tpu.memory_space<vmem>> -> memref<128x128xi32, #tpu.memory_space<vmem>>
    %dma_start3A_75 = arith.constant 256 : i32
    %dma_start3A_76 = tpu.memref_slice %arg6[%dma_start3A_75] : memref<5120xi32, #tpu.memory_space<vmem>> -> memref<128xi32, #tpu.memory_space<vmem>>
    %dma_start3A_77 = arith.constant 0 : i32
    %dma_start3A_78 = arith.constant 0 : i32
    %dma_start3A_79 = tpu.memref_slice %arg2[%dma_start3A_77, %dma_start3A_78] : memref<10000x128xi32, #tpu.memory_space<hbm>> -> memref<10000x128xi32, #tpu.memory_space<hbm>>
    tpu.enqueue_indirect_dma source(%dma_start3A_79 : memref<10000x128xi32, #tpu.memory_space<hbm>>) target(%dma_start3A_74 : memref<128x128xi32, #tpu.memory_space<vmem>>) offsets(%dma_start3A_76 : memref<128xi32, #tpu.memory_space<vmem>>) semaphore(%arg11 : memref<!tpu.dma_semaphore, #tpu.memory_space<semaphore_mem>>)
    %dma_start3A_80 = arith.constant 3 : i32
    %dma_start3A_81 = arith.constant 0 : i32
    %dma_start3A_82 = arith.constant 0 : i32
    %dma_start3A_83 = tpu.memref_slice %arg7[%dma_start3A_80, %dma_start3A_81, %dma_start3A_82] : memref<4x128x128xi32, #tpu.memory_space<vmem>> -> memref<1x128x128xi32, #tpu.memory_space<vmem>>
    %dma_start3A_84 = tpu.memref_squeeze %dma_start3A_83 : memref<1x128x128xi32, #tpu.memory_space<vmem>> -> memref<128x128xi32, #tpu.memory_space<vmem>>
    %dma_start3A_85 = arith.constant 384 : i32
    %dma_start3A_86 = tpu.memref_slice %arg6[%dma_start3A_85] : memref<5120xi32, #tpu.memory_space<vmem>> -> memref<128xi32, #tpu.memory_space<vmem>>
    %dma_start3A_87 = arith.constant 0 : i32
    %dma_start3A_88 = arith.constant 0 : i32
    %dma_start3A_89 = tpu.memref_slice %arg2[%dma_start3A_87, %dma_start3A_88] : memref<10000x128xi32, #tpu.memory_space<hbm>> -> memref<10000x128xi32, #tpu.memory_space<hbm>>
    tpu.enqueue_indirect_dma source(%dma_start3A_89 : memref<10000x128xi32, #tpu.memory_space<hbm>>) target(%dma_start3A_84 : memref<128x128xi32, #tpu.memory_space<vmem>>) offsets(%dma_start3A_86 : memref<128xi32, #tpu.memory_space<vmem>>) semaphore(%arg12 : memref<!tpu.dma_semaphore, #tpu.memory_space<semaphore_mem>>)
    %scan3A = arith.constant 0 : i32
    %scan3A_90 = arith.constant 10 : i32
    %scan3A_91 = arith.addi %scan3A, %scan3A_90 : i32
    %scan3A_92 = arith.constant 1 : i32
    scf.for %scan3A_183 = %scan3A to %scan3A_91 step %scan3A_92  : i32 {
      %mul3A_184 = arith.constant 1 : i32
      %mul3A_185 = arith.muli %scan3A_183, %mul3A_184 : i32
      %add3A_186 = arith.constant 0 : i32
      %add3A_187 = arith.addi %add3A_186, %mul3A_185 : i32
      %mul3A_188 = arith.constant 4 : i32
      %mul3A_189 = arith.muli %mul3A_188, %add3A_187 : i32
      %add3A_190 = arith.constant 0 : i32
      %add3A_191 = arith.addi %mul3A_189, %add3A_190 : i32
      %lt3A = arith.cmpi slt, %add3A_191, %sub3A_48 : i32
      %convert_element_type3A = arith.extui %lt3A : i1 to i32
      %cond3A = arith.constant 0 : i32
      %cond3A_192 = arith.cmpi ne, %convert_element_type3A, %cond3A : i32
      scf.if %cond3A_192 {
        %add3A_211 = arith.constant 0 : i32
        %add3A_212 = arith.addi %mul3A_189, %add3A_211 : i32
        %mul3A_213 = arith.constant 128 : i32
        %mul3A_214 = arith.muli %add3A_212, %mul3A_213 : i32
        %dma_wait3A_215 = arith.constant 0 : i32
        %dma_wait3A_216 = arith.constant 0 : i32
        %dma_wait3A_217 = arith.constant 0 : i32
        %dma_wait3A_218 = tpu.memref_slice %arg7[%dma_wait3A_215, %dma_wait3A_216, %dma_wait3A_217] : memref<4x128x128xi32, #tpu.memory_space<vmem>> -> memref<1x128x128xi32, #tpu.memory_space<vmem>>
        %dma_wait3A_219 = tpu.memref_squeeze %dma_wait3A_218 : memref<1x128x128xi32, #tpu.memory_space<vmem>> -> memref<128x128xi32, #tpu.memory_space<vmem>>
        %dma_wait3A_220 = tpu.memref_slice %arg6[%mul3A_214] : memref<5120xi32, #tpu.memory_space<vmem>> -> memref<128xi32, #tpu.memory_space<vmem>>
        %dma_wait3A_221 = arith.constant 0 : i32
        %dma_wait3A_222 = arith.constant 0 : i32
        %dma_wait3A_223 = tpu.memref_slice %arg2[%dma_wait3A_221, %dma_wait3A_222] : memref<10000x128xi32, #tpu.memory_space<hbm>> -> memref<10000x128xi32, #tpu.memory_space<hbm>>
        tpu.wait_indirect_dma semaphore(%arg9 : memref<!tpu.dma_semaphore, #tpu.memory_space<semaphore_mem>>) src(%dma_wait3A_223 : memref<10000x128xi32, #tpu.memory_space<hbm>>) dst(%dma_wait3A_219 : memref<128x128xi32, #tpu.memory_space<vmem>>)
        %ge3A = arith.constant 2 : i32
        %ge3A_224 = arith.cmpi sge, %add3A_212, %ge3A : i32
        %convert_element_type3A_225 = arith.extui %ge3A_224 : i1 to i32
        %cond3A_226 = arith.constant 0 : i32
        %cond3A_227 = arith.cmpi ne, %convert_element_type3A_225, %cond3A_226 : i32
        scf.if %cond3A_227 {
          %sub3A_260 = arith.constant 2 : i32
          %sub3A_261 = arith.subi %add3A_212, %sub3A_260 : i32
          %add3A_262 = arith.addi %select_n3A, %sub3A_261 : i32
          %mul3A_263 = arith.constant 8 : i32
          %mul3A_264 = arith.muli %add3A_262, %mul3A_263 : i32
          %dma_wait3A_265 = arith.constant 0 : i32
          %dma_wait3A_266 = arith.constant 0 : i32
          %dma_wait3A_267 = arith.constant 0 : i32
          %dma_wait3A_268 = tpu.memref_slice %arg8[%dma_wait3A_265, %dma_wait3A_266, %dma_wait3A_267] : memref<2x8x256xf32, #tpu.memory_space<vmem>> -> memref<1x8x256xf32, #tpu.memory_space<vmem>>
          %dma_wait3A_269 = tpu.memref_squeeze %dma_wait3A_268 : memref<1x8x256xf32, #tpu.memory_space<vmem>> -> memref<8x256xf32, #tpu.memory_space<vmem>>
          %dma_wait3A_270 = arith.constant 0 : i32
          %dma_wait3A_271 = tpu.memref_slice %arg5[%mul3A_264, %dma_wait3A_270] : memref<10000x256xf32, #tpu.memory_space<hbm>> -> memref<8x256xf32, #tpu.memory_space<hbm>>
          %dma_wait3A_272 = arith.constant 0 : i32
          %dma_wait3A_273 = tpu.memref_slice %arg5[%mul3A_264, %dma_wait3A_272] : memref<10000x256xf32, #tpu.memory_space<hbm>> -> memref<8x256xf32, #tpu.memory_space<hbm>>
          %dma_wait3A_274 = arith.constant 0 : i32
          %dma_wait3A_275 = arith.constant 0 : i32
          %dma_wait3A_276 = tpu.memref_slice %arg8[%dma_wait3A_265, %dma_wait3A_274, %dma_wait3A_275] : memref<2x8x256xf32, #tpu.memory_space<vmem>> -> memref<1x8x256xf32, #tpu.memory_space<vmem>>
          %dma_wait3A_277 = tpu.memref_squeeze %dma_wait3A_276 : memref<1x8x256xf32, #tpu.memory_space<vmem>> -> memref<8x256xf32, #tpu.memory_space<vmem>>
          tpu.wait_dma2 semaphore(%arg13 : memref<!tpu.dma_semaphore, #tpu.memory_space<semaphore_mem>>) src(%dma_wait3A_277 : memref<8x256xf32, #tpu.memory_space<vmem>>) dst(%dma_wait3A_273 : memref<8x256xf32, #tpu.memory_space<hbm>>)
        } else {
        }
        %iota3A = tpu.iota {dimensions = array<i32: 0>} : vector<16xi32>
        %mul3A_228 = arith.constant 2 : i32
        %mul3A_229 = vector.broadcast %mul3A_228 : i32 to vector<16xi32>
        %mul3A_230 = arith.muli %mul3A_229, %iota3A : vector<16xi32>
        %scan3A_231 = arith.constant 0 : i32
        %scan3A_232 = arith.constant 0 : i32
        %scan3A_233 = arith.constant 0 : i32
        %scan3A_234 = arith.constant 8 : i32
        %scan3A_235 = arith.addi %scan3A_233, %scan3A_234 : i32
        %scan3A_236 = arith.constant 1 : i32
        scf.for %scan3A_260 = %scan3A_233 to %scan3A_235 step %scan3A_236  : i32 {
          %mul3A_261 = arith.constant 1 : i32
          %mul3A_262 = arith.muli %scan3A_260, %mul3A_261 : i32
          %add3A_263 = arith.constant 0 : i32
          %add3A_264 = arith.addi %add3A_263, %mul3A_262 : i32
          %broadcast_in_dim3A = vector.broadcast %add3A_264 : i32 to vector<16xi32>
          %parallel_loop3A = arith.constant 0 : i32
          %parallel_loop3A_265 = arith.constant 128 : i32
          %parallel_loop3A_266 = arith.constant 16 : i32
          scf.for %parallel_loop3A_267 = %parallel_loop3A to %parallel_loop3A_265 step %parallel_loop3A_266  : i32 {
            %parallel_loop3A_268 = arith.constant 16 : i32
            %parallel_loop3A_269 = arith.muli %add3A_264, %parallel_loop3A_268 : i32
            %parallel_loop3A_270 = arith.constant 0 : i32
            %parallel_loop3A_271 = arith.addi %parallel_loop3A_269, %parallel_loop3A_270 : i32
            %parallel_loop3A_272 = arith.constant 0 : i32
            %parallel_loop3A_273 = arith.constant 0 : i32
            %parallel_loop3A_274 = tpu.memref_slice %arg7[%scan3A_231, %parallel_loop3A_272, %parallel_loop3A_273] : memref<4x128x128xi32, #tpu.memory_space<vmem>> -> memref<1x128x128xi32, #tpu.memory_space<vmem>>
            %parallel_loop3A_275 = tpu.memref_squeeze %parallel_loop3A_274 : memref<1x128x128xi32, #tpu.memory_space<vmem>> -> memref<128x128xi32, #tpu.memory_space<vmem>>
            %parallel_loop3A_276 = arith.index_cast %parallel_loop3A_271 : i32 to index
            %parallel_loop3A_277 = arith.index_cast %parallel_loop3A_267 : i32 to index
            %parallel_loop3A_278 = tpu.vector_load %parallel_loop3A_275[%parallel_loop3A_276, %parallel_loop3A_277] {strides = array<i32>} : memref<128x128xi32, #tpu.memory_space<vmem>>, vector<16xi32>,
            %parallel_loop3A_279 = vector.bitcast %parallel_loop3A_278 : vector<16xi32> to vector<32xbf16>
            %parallel_loop3A_280 = arith.constant 16 : i32
            %parallel_loop3A_281 = arith.muli %add3A_264, %parallel_loop3A_280 : i32
            %parallel_loop3A_282 = arith.constant 1 : i32
            %parallel_loop3A_283 = arith.addi %parallel_loop3A_281, %parallel_loop3A_282 : i32
            %parallel_loop3A_284 = arith.constant 0 : i32
            %parallel_loop3A_285 = arith.constant 0 : i32
            %parallel_loop3A_286 = tpu.memref_slice %arg7[%scan3A_231, %parallel_loop3A_284, %parallel_loop3A_285] : memref<4x128x128xi32, #tpu.memory_space<vmem>> -> memref<1x128x128xi32, #tpu.memory_space<vmem>>
            %parallel_loop3A_287 = tpu.memref_squeeze %parallel_loop3A_286 : memref<1x128x128xi32, #tpu.memory_space<vmem>> -> memref<128x128xi32, #tpu.memory_space<vmem>>
            %parallel_loop3A_288 = arith.index_cast %parallel_loop3A_283 : i32 to index
            %parallel_loop3A_289 = arith.index_cast %parallel_loop3A_267 : i32 to index
            %parallel_loop3A_290 = tpu.vector_load %parallel_loop3A_287[%parallel_loop3A_288, %parallel_loop3A_289] {strides = array<i32>} : memref<128x128xi32, #tpu.memory_space<vmem>>, vector<16xi32>,
            %parallel_loop3A_291 = vector.bitcast %parallel_loop3A_290 : vector<16xi32> to vector<32xbf16>
            %parallel_loop3A_292 = arith.constant 16 : i32
            %parallel_loop3A_293 = arith.muli %add3A_264, %parallel_loop3A_292 : i32
            %parallel_loop3A_294 = arith.constant 2 : i32
            %parallel_loop3A_295 = arith.addi %parallel_loop3A_293, %parallel_loop3A_294 : i32
            %parallel_loop3A_296 = arith.constant 0 : i32
            %parallel_loop3A_297 = arith.constant 0 : i32
            %parallel_loop3A_298 = tpu.memref_slice %arg7[%scan3A_231, %parallel_loop3A_296, %parallel_loop3A_297] : memref<4x128x128xi32, #tpu.memory_space<vmem>> -> memref<1x128x128xi32, #tpu.memory_space<vmem>>
            %parallel_loop3A_299 = tpu.memref_squeeze %parallel_loop3A_298 : memref<1x128x128xi32, #tpu.memory_space<vmem>> -> memref<128x128xi32, #tpu.memory_space<vmem>>
            %parallel_loop3A_300 = arith.index_cast %parallel_loop3A_295 : i32 to index
            %parallel_loop3A_301 = arith.index_cast %parallel_loop3A_267 : i32 to index
            %parallel_loop3A_302 = tpu.vector_load %parallel_loop3A_299[%parallel_loop3A_300, %parallel_loop3A_301] {strides = array<i32>} : memref<128x128xi32, #tpu.memory_space<vmem>>, vector<16xi32>,
            %parallel_loop3A_303 = vector.bitcast %parallel_loop3A_302 : vector<16xi32> to vector<32xbf16>
            %parallel_loop3A_304 = arith.constant 16 : i32
            %parallel_loop3A_305 = arith.muli %add3A_264, %parallel_loop3A_304 : i32
            %parallel_loop3A_306 = arith.constant 3 : i32
            %parallel_loop3A_307 = arith.addi %parallel_loop3A_305, %parallel_loop3A_306 : i32
            %parallel_loop3A_308 = arith.constant 0 : i32
            %parallel_loop3A_309 = arith.constant 0 : i32
            %parallel_loop3A_310 = tpu.memref_slice %arg7[%scan3A_231, %parallel_loop3A_308, %parallel_loop3A_309] : memref<4x128x128xi32, #tpu.memory_space<vmem>> -> memref<1x128x128xi32, #tpu.memory_space<vmem>>
            %parallel_loop3A_311 = tpu.memref_squeeze %parallel_loop3A_310 : memref<1x128x128xi32, #tpu.memory_space<vmem>> -> memref<128x128xi32, #tpu.memory_space<vmem>>
            %parallel_loop3A_312 = arith.index_cast %parallel_loop3A_307 : i32 to index
            %parallel_loop3A_313 = arith.index_cast %parallel_loop3A_267 : i32 to index
            %parallel_loop3A_314 = tpu.vector_load %parallel_loop3A_311[%parallel_loop3A_312, %parallel_loop3A_313] {strides = array<i32>} : memref<128x128xi32, #tpu.memory_space<vmem>>, vector<16xi32>,
            %parallel_loop3A_315 = vector.bitcast %parallel_loop3A_314 : vector<16xi32> to vector<32xbf16>
            %parallel_loop3A_316 = arith.constant 16 : i32
            %parallel_loop3A_317 = arith.muli %add3A_264, %parallel_loop3A_316 : i32
            %parallel_loop3A_318 = arith.constant 4 : i32
            %parallel_loop3A_319 = arith.addi %parallel_loop3A_317, %parallel_loop3A_318 : i32
            %parallel_loop3A_320 = arith.constant 0 : i32
            %parallel_loop3A_321 = arith.constant 0 : i32
            %parallel_loop3A_322 = tpu.memref_slice %arg7[%scan3A_231, %parallel_loop3A_320, %parallel_loop3A_321] : memref<4x128x128xi32, #tpu.memory_space<vmem>> -> memref<1x128x128xi32, #tpu.memory_space<vmem>>
            %parallel_loop3A_323 = tpu.memref_squeeze %parallel_loop3A_322 : memref<1x128x128xi32, #tpu.memory_space<vmem>> -> memref<128x128xi32, #tpu.memory_space<vmem>>
            %parallel_loop3A_324 = arith.index_cast %parallel_loop3A_319 : i32 to index
            %parallel_loop3A_325 = arith.index_cast %parallel_loop3A_267 : i32 to index
            %parallel_loop3A_326 = tpu.vector_load %parallel_loop3A_323[%parallel_loop3A_324, %parallel_loop3A_325] {strides = array<i32>} : memref<128x128xi32, #tpu.memory_space<vmem>>, vector<16xi32>,
            %parallel_loop3A_327 = vector.bitcast %parallel_loop3A_326 : vector<16xi32> to vector<32xbf16>
            %parallel_loop3A_328 = arith.constant 16 : i32
            %parallel_loop3A_329 = arith.muli %add3A_264, %parallel_loop3A_328 : i32
            %parallel_loop3A_330 = arith.constant 5 : i32
            %parallel_loop3A_331 = arith.addi %parallel_loop3A_329, %parallel_loop3A_330 : i32
            %parallel_loop3A_332 = arith.constant 0 : i32
            %parallel_loop3A_333 = arith.constant 0 : i32
            %parallel_loop3A_334 = tpu.memref_slice %arg7[%scan3A_231, %parallel_loop3A_332, %parallel_loop3A_333] : memref<4x128x128xi32, #tpu.memory_space<vmem>> -> memref<1x128x128xi32, #tpu.memory_space<vmem>>
            %parallel_loop3A_335 = tpu.memref_squeeze %parallel_loop3A_334 : memref<1x128x128xi32, #tpu.memory_space<vmem>> -> memref<128x128xi32, #tpu.memory_space<vmem>>
            %parallel_loop3A_336 = arith.index_cast %parallel_loop3A_331 : i32 to index
            %parallel_loop3A_337 = arith.index_cast %parallel_loop3A_267 : i32 to index
            %parallel_loop3A_338 = tpu.vector_load %parallel_loop3A_335[%parallel_loop3A_336, %parallel_loop3A_337] {strides = array<i32>} : memref<128x128xi32, #tpu.memory_space<vmem>>, vector<16xi32>,
            %parallel_loop3A_339 = vector.bitcast %parallel_loop3A_338 : vector<16xi32> to vector<32xbf16>
            %parallel_loop3A_340 = arith.constant 16 : i32
            %parallel_loop3A_341 = arith.muli %add3A_264, %parallel_loop3A_340 : i32
            %parallel_loop3A_342 = arith.constant 6 : i32
            %parallel_loop3A_343 = arith.addi %parallel_loop3A_341, %parallel_loop3A_342 : i32
            %parallel_loop3A_344 = arith.constant 0 : i32
            %parallel_loop3A_345 = arith.constant 0 : i32
            %parallel_loop3A_346 = tpu.memref_slice %arg7[%scan3A_231, %parallel_loop3A_344, %parallel_loop3A_345] : memref<4x128x128xi32, #tpu.memory_space<vmem>> -> memref<1x128x128xi32, #tpu.memory_space<vmem>>
            %parallel_loop3A_347 = tpu.memref_squeeze %parallel_loop3A_346 : memref<1x128x128xi32, #tpu.memory_space<vmem>> -> memref<128x128xi32, #tpu.memory_space<vmem>>
            %parallel_loop3A_348 = arith.index_cast %parallel_loop3A_343 : i32 to index
            %parallel_loop3A_349 = arith.index_cast %parallel_loop3A_267 : i32 to index
            %parallel_loop3A_350 = tpu.vector_load %parallel_loop3A_347[%parallel_loop3A_348, %parallel_loop3A_349] {strides = array<i32>} : memref<128x128xi32, #tpu.memory_space<vmem>>, vector<16xi32>,
            %parallel_loop3A_351 = vector.bitcast %parallel_loop3A_350 : vector<16xi32> to vector<32xbf16>
            %parallel_loop3A_352 = arith.constant 16 : i32
            %parallel_loop3A_353 = arith.muli %add3A_264, %parallel_loop3A_352 : i32
            %parallel_loop3A_354 = arith.constant 7 : i32
            %parallel_loop3A_355 = arith.addi %parallel_loop3A_353, %parallel_loop3A_354 : i32
            %parallel_loop3A_356 = arith.constant 0 : i32
            %parallel_loop3A_357 = arith.constant 0 : i32
            %parallel_loop3A_358 = tpu.memref_slice %arg7[%scan3A_231, %parallel_loop3A_356, %parallel_loop3A_357] : memref<4x128x128xi32, #tpu.memory_space<vmem>> -> memref<1x128x128xi32, #tpu.memory_space<vmem>>
            %parallel_loop3A_359 = tpu.memref_squeeze %parallel_loop3A_358 : memref<1x128x128xi32, #tpu.memory_space<vmem>> -> memref<128x128xi32, #tpu.memory_space<vmem>>
            %parallel_loop3A_360 = arith.index_cast %parallel_loop3A_355 : i32 to index
            %parallel_loop3A_361 = arith.index_cast %parallel_loop3A_267 : i32 to index
            %parallel_loop3A_362 = tpu.vector_load %parallel_loop3A_359[%parallel_loop3A_360, %parallel_loop3A_361] {strides = array<i32>} : memref<128x128xi32, #tpu.memory_space<vmem>>, vector<16xi32>,
            %parallel_loop3A_363 = vector.bitcast %parallel_loop3A_362 : vector<16xi32> to vector<32xbf16>
            %parallel_loop3A_364 = arith.constant 16 : i32
            %parallel_loop3A_365 = arith.muli %add3A_264, %parallel_loop3A_364 : i32
            %parallel_loop3A_366 = arith.constant 8 : i32
            %parallel_loop3A_367 = arith.addi %parallel_loop3A_365, %parallel_loop3A_366 : i32
            %parallel_loop3A_368 = arith.constant 0 : i32
            %parallel_loop3A_369 = arith.constant 0 : i32
            %parallel_loop3A_370 = tpu.memref_slice %arg7[%scan3A_231, %parallel_loop3A_368, %parallel_loop3A_369] : memref<4x128x128xi32, #tpu.memory_space<vmem>> -> memref<1x128x128xi32, #tpu.memory_space<vmem>>
            %parallel_loop3A_371 = tpu.memref_squeeze %parallel_loop3A_370 : memref<1x128x128xi32, #tpu.memory_space<vmem>> -> memref<128x128xi32, #tpu.memory_space<vmem>>
            %parallel_loop3A_372 = arith.index_cast %parallel_loop3A_367 : i32 to index
            %parallel_loop3A_373 = arith.index_cast %parallel_loop3A_267 : i32 to index
            %parallel_loop3A_374 = tpu.vector_load %parallel_loop3A_371[%parallel_loop3A_372, %parallel_loop3A_373] {strides = array<i32>} : memref<128x128xi32, #tpu.memory_space<vmem>>, vector<16xi32>,
            %parallel_loop3A_375 = vector.bitcast %parallel_loop3A_374 : vector<16xi32> to vector<32xbf16>
            %parallel_loop3A_376 = arith.constant 16 : i32
            %parallel_loop3A_377 = arith.muli %add3A_264, %parallel_loop3A_376 : i32
            %parallel_loop3A_378 = arith.constant 9 : i32
            %parallel_loop3A_379 = arith.addi %parallel_loop3A_377, %parallel_loop3A_378 : i32
            %parallel_loop3A_380 = arith.constant 0 : i32
            %parallel_loop3A_381 = arith.constant 0 : i32
            %parallel_loop3A_382 = tpu.memref_slice %arg7[%scan3A_231, %parallel_loop3A_380, %parallel_loop3A_381] : memref<4x128x128xi32, #tpu.memory_space<vmem>> -> memref<1x128x128xi32, #tpu.memory_space<vmem>>
            %parallel_loop3A_383 = tpu.memref_squeeze %parallel_loop3A_382 : memref<1x128x128xi32, #tpu.memory_space<vmem>> -> memref<128x128xi32, #tpu.memory_space<vmem>>
            %parallel_loop3A_384 = arith.index_cast %parallel_loop3A_379 : i32 to index
            %parallel_loop3A_385 = arith.index_cast %parallel_loop3A_267 : i32 to index
            %parallel_loop3A_386 = tpu.vector_load %parallel_loop3A_383[%parallel_loop3A_384, %parallel_loop3A_385] {strides = array<i32>} : memref<128x128xi32, #tpu.memory_space<vmem>>, vector<16xi32>,
            %parallel_loop3A_387 = vector.bitcast %parallel_loop3A_386 : vector<16xi32> to vector<32xbf16>
            %parallel_loop3A_388 = arith.constant 16 : i32
            %parallel_loop3A_389 = arith.muli %add3A_264, %parallel_loop3A_388 : i32
            %parallel_loop3A_390 = arith.constant 10 : i32
            %parallel_loop3A_391 = arith.addi %parallel_loop3A_389, %parallel_loop3A_390 : i32
            %parallel_loop3A_392 = arith.constant 0 : i32
            %parallel_loop3A_393 = arith.constant 0 : i32
            %parallel_loop3A_394 = tpu.memref_slice %arg7[%scan3A_231, %parallel_loop3A_392, %parallel_loop3A_393] : memref<4x128x128xi32, #tpu.memory_space<vmem>> -> memref<1x128x128xi32, #tpu.memory_space<vmem>>
            %parallel_loop3A_395 = tpu.memref_squeeze %parallel_loop3A_394 : memref<1x128x128xi32, #tpu.memory_space<vmem>> -> memref<128x128xi32, #tpu.memory_space<vmem>>
            %parallel_loop3A_396 = arith.index_cast %parallel_loop3A_391 : i32 to index
            %parallel_loop3A_397 = arith.index_cast %parallel_loop3A_267 : i32 to index
            %parallel_loop3A_398 = tpu.vector_load %parallel_loop3A_395[%parallel_loop3A_396, %parallel_loop3A_397] {strides = array<i32>} : memref<128x128xi32, #tpu.memory_space<vmem>>, vector<16xi32>,
            %parallel_loop3A_399 = vector.bitcast %parallel_loop3A_398 : vector<16xi32> to vector<32xbf16>
            %parallel_loop3A_400 = arith.constant 16 : i32
            %parallel_loop3A_401 = arith.muli %add3A_264, %parallel_loop3A_400 : i32
            %parallel_loop3A_402 = arith.constant 11 : i32
            %parallel_loop3A_403 = arith.addi %parallel_loop3A_401, %parallel_loop3A_402 : i32
            %parallel_loop3A_404 = arith.constant 0 : i32
            %parallel_loop3A_405 = arith.constant 0 : i32
            %parallel_loop3A_406 = tpu.memref_slice %arg7[%scan3A_231, %parallel_loop3A_404, %parallel_loop3A_405] : memref<4x128x128xi32, #tpu.memory_space<vmem>> -> memref<1x128x128xi32, #tpu.memory_space<vmem>>
            %parallel_loop3A_407 = tpu.memref_squeeze %parallel_loop3A_406 : memref<1x128x128xi32, #tpu.memory_space<vmem>> -> memref<128x128xi32, #tpu.memory_space<vmem>>
            %parallel_loop3A_408 = arith.index_cast %parallel_loop3A_403 : i32 to index
            %parallel_loop3A_409 = arith.index_cast %parallel_loop3A_267 : i32 to index
            %parallel_loop3A_410 = tpu.vector_load %parallel_loop3A_407[%parallel_loop3A_408, %parallel_loop3A_409] {strides = array<i32>} : memref<128x128xi32, #tpu.memory_space<vmem>>, vector<16xi32>,
            %parallel_loop3A_411 = vector.bitcast %parallel_loop3A_410 : vector<16xi32> to vector<32xbf16>
            %parallel_loop3A_412 = arith.constant 16 : i32
            %parallel_loop3A_413 = arith.muli %add3A_264, %parallel_loop3A_412 : i32
            %parallel_loop3A_414 = arith.constant 12 : i32
            %parallel_loop3A_415 = arith.addi %parallel_loop3A_413, %parallel_loop3A_414 : i32
            %parallel_loop3A_416 = arith.constant 0 : i32
            %parallel_loop3A_417 = arith.constant 0 : i32
            %parallel_loop3A_418 = tpu.memref_slice %arg7[%scan3A_231, %parallel_loop3A_416, %parallel_loop3A_417] : memref<4x128x128xi32, #tpu.memory_space<vmem>> -> memref<1x128x128xi32, #tpu.memory_space<vmem>>
            %parallel_loop3A_419 = tpu.memref_squeeze %parallel_loop3A_418 : memref<1x128x128xi32, #tpu.memory_space<vmem>> -> memref<128x128xi32, #tpu.memory_space<vmem>>
            %parallel_loop3A_420 = arith.index_cast %parallel_loop3A_415 : i32 to index
            %parallel_loop3A_421 = arith.index_cast %parallel_loop3A_267 : i32 to index
            %parallel_loop3A_422 = tpu.vector_load %parallel_loop3A_419[%parallel_loop3A_420, %parallel_loop3A_421] {strides = array<i32>} : memref<128x128xi32, #tpu.memory_space<vmem>>, vector<16xi32>,
            %parallel_loop3A_423 = vector.bitcast %parallel_loop3A_422 : vector<16xi32> to vector<32xbf16>
            %parallel_loop3A_424 = arith.constant 16 : i32
            %parallel_loop3A_425 = arith.muli %add3A_264, %parallel_loop3A_424 : i32
            %parallel_loop3A_426 = arith.constant 13 : i32
            %parallel_loop3A_427 = arith.addi %parallel_loop3A_425, %parallel_loop3A_426 : i32
            %parallel_loop3A_428 = arith.constant 0 : i32
            %parallel_loop3A_429 = arith.constant 0 : i32
            %parallel_loop3A_430 = tpu.memref_slice %arg7[%scan3A_231, %parallel_loop3A_428, %parallel_loop3A_429] : memref<4x128x128xi32, #tpu.memory_space<vmem>> -> memref<1x128x128xi32, #tpu.memory_space<vmem>>
            %parallel_loop3A_431 = tpu.memref_squeeze %parallel_loop3A_430 : memref<1x128x128xi32, #tpu.memory_space<vmem>> -> memref<128x128xi32, #tpu.memory_space<vmem>>
            %parallel_loop3A_432 = arith.index_cast %parallel_loop3A_427 : i32 to index
            %parallel_loop3A_433 = arith.index_cast %parallel_loop3A_267 : i32 to index
            %parallel_loop3A_434 = tpu.vector_load %parallel_loop3A_431[%parallel_loop3A_432, %parallel_loop3A_433] {strides = array<i32>} : memref<128x128xi32, #tpu.memory_space<vmem>>, vector<16xi32>,
            %parallel_loop3A_435 = vector.bitcast %parallel_loop3A_434 : vector<16xi32> to vector<32xbf16>
            %parallel_loop3A_436 = arith.constant 16 : i32
            %parallel_loop3A_437 = arith.muli %add3A_264, %parallel_loop3A_436 : i32
            %parallel_loop3A_438 = arith.constant 14 : i32
            %parallel_loop3A_439 = arith.addi %parallel_loop3A_437, %parallel_loop3A_438 : i32
            %parallel_loop3A_440 = arith.constant 0 : i32
            %parallel_loop3A_441 = arith.constant 0 : i32
            %parallel_loop3A_442 = tpu.memref_slice %arg7[%scan3A_231, %parallel_loop3A_440, %parallel_loop3A_441] : memref<4x128x128xi32, #tpu.memory_space<vmem>> -> memref<1x128x128xi32, #tpu.memory_space<vmem>>
            %parallel_loop3A_443 = tpu.memref_squeeze %parallel_loop3A_442 : memref<1x128x128xi32, #tpu.memory_space<vmem>> -> memref<128x128xi32, #tpu.memory_space<vmem>>
            %parallel_loop3A_444 = arith.index_cast %parallel_loop3A_439 : i32 to index
            %parallel_loop3A_445 = arith.index_cast %parallel_loop3A_267 : i32 to index
            %parallel_loop3A_446 = tpu.vector_load %parallel_loop3A_443[%parallel_loop3A_444, %parallel_loop3A_445] {strides = array<i32>} : memref<128x128xi32, #tpu.memory_space<vmem>>, vector<16xi32>,
            %parallel_loop3A_447 = vector.bitcast %parallel_loop3A_446 : vector<16xi32> to vector<32xbf16>
            %parallel_loop3A_448 = arith.constant 16 : i32
            %parallel_loop3A_449 = arith.muli %add3A_264, %parallel_loop3A_448 : i32
            %parallel_loop3A_450 = arith.constant 15 : i32
            %parallel_loop3A_451 = arith.addi %parallel_loop3A_449, %parallel_loop3A_450 : i32
            %parallel_loop3A_452 = arith.constant 0 : i32
            %parallel_loop3A_453 = arith.constant 0 : i32
            %parallel_loop3A_454 = tpu.memref_slice %arg7[%scan3A_231, %parallel_loop3A_452, %parallel_loop3A_453] : memref<4x128x128xi32, #tpu.memory_space<vmem>> -> memref<1x128x128xi32, #tpu.memory_space<vmem>>
            %parallel_loop3A_455 = tpu.memref_squeeze %parallel_loop3A_454 : memref<1x128x128xi32, #tpu.memory_space<vmem>> -> memref<128x128xi32, #tpu.memory_space<vmem>>
            %parallel_loop3A_456 = arith.index_cast %parallel_loop3A_451 : i32 to index
            %parallel_loop3A_457 = arith.index_cast %parallel_loop3A_267 : i32 to index
            %parallel_loop3A_458 = tpu.vector_load %parallel_loop3A_455[%parallel_loop3A_456, %parallel_loop3A_457] {strides = array<i32>} : memref<128x128xi32, #tpu.memory_space<vmem>>, vector<16xi32>,
            %parallel_loop3A_459 = vector.bitcast %parallel_loop3A_458 : vector<16xi32> to vector<32xbf16>
            %parallel_loop3A_460 = arith.addf %parallel_loop3A_279, %parallel_loop3A_291 : vector<32xbf16>
            %parallel_loop3A_461 = arith.addf %parallel_loop3A_303, %parallel_loop3A_315 : vector<32xbf16>
            %parallel_loop3A_462 = arith.addf %parallel_loop3A_327, %parallel_loop3A_339 : vector<32xbf16>
            %parallel_loop3A_463 = arith.addf %parallel_loop3A_351, %parallel_loop3A_363 : vector<32xbf16>
            %parallel_loop3A_464 = arith.addf %parallel_loop3A_375, %parallel_loop3A_387 : vector<32xbf16>
            %parallel_loop3A_465 = arith.addf %parallel_loop3A_399, %parallel_loop3A_411 : vector<32xbf16>
            %parallel_loop3A_466 = arith.addf %parallel_loop3A_423, %parallel_loop3A_435 : vector<32xbf16>
            %parallel_loop3A_467 = arith.addf %parallel_loop3A_447, %parallel_loop3A_459 : vector<32xbf16>
            %parallel_loop3A_468 = arith.addf %parallel_loop3A_460, %parallel_loop3A_461 : vector<32xbf16>
            %parallel_loop3A_469 = arith.addf %parallel_loop3A_462, %parallel_loop3A_463 : vector<32xbf16>
            %parallel_loop3A_470 = arith.addf %parallel_loop3A_464, %parallel_loop3A_465 : vector<32xbf16>
            %parallel_loop3A_471 = arith.addf %parallel_loop3A_466, %parallel_loop3A_467 : vector<32xbf16>
            %parallel_loop3A_472 = arith.addf %parallel_loop3A_468, %parallel_loop3A_469 : vector<32xbf16>
            %parallel_loop3A_473 = arith.addf %parallel_loop3A_470, %parallel_loop3A_471 : vector<32xbf16>
            %parallel_loop3A_474 = arith.addf %parallel_loop3A_472, %parallel_loop3A_473 : vector<32xbf16>
            %parallel_loop3A_475 = tpu.unpack_subelements %parallel_loop3A_474, 0 {pack_format = #tpu.pack_format<interleaved>} : vector<32xbf16> -> vector<16xf32>
            %parallel_loop3A_476 = tpu.unpack_subelements %parallel_loop3A_474, 1 {pack_format = #tpu.pack_format<interleaved>} : vector<32xbf16> -> vector<16xf32>
            %parallel_loop3A_477 = arith.constant 2 : i32
            %parallel_loop3A_478 = arith.muli %parallel_loop3A_477, %parallel_loop3A_267 : i32
            %parallel_loop3A_479 = vector.broadcast %parallel_loop3A_478 : i32 to vector<16xi32>
            %parallel_loop3A_480 = arith.addi %mul3A_230, %parallel_loop3A_479 : vector<16xi32>
            %parallel_loop3A_481 = vector.broadcast %squeeze3A : f32 to vector<16xf32>
            %parallel_loop3A_482 = arith.mulf %parallel_loop3A_475, %parallel_loop3A_481 : vector<16xf32>
            %parallel_loop3A_483 = arith.constant 0 : i32
            %parallel_loop3A_484 = arith.constant 0 : i32
            %parallel_loop3A_485 = tpu.memref_slice %arg8[%scan3A_232, %parallel_loop3A_483, %parallel_loop3A_484] : memref<2x8x256xf32, #tpu.memory_space<vmem>> -> memref<1x8x256xf32, #tpu.memory_space<vmem>>
            %parallel_loop3A_486 = tpu.memref_squeeze %parallel_loop3A_485 : memref<1x8x256xf32, #tpu.memory_space<vmem>> -> memref<8x256xf32, #tpu.memory_space<vmem>>
            tpu.vector_store_idx %parallel_loop3A_486[%broadcast_in_dim3A, %parallel_loop3A_480], %parallel_loop3A_482 : memref<8x256xf32, #tpu.memory_space<vmem>>[vector<16xi32>, vector<16xi32>], vector<16xf32>,
            %parallel_loop3A_487 = arith.constant 1 : i32
            %parallel_loop3A_488 = vector.broadcast %parallel_loop3A_487 : i32 to vector<16xi32>
            %parallel_loop3A_489 = arith.addi %parallel_loop3A_480, %parallel_loop3A_488 : vector<16xi32>
            %parallel_loop3A_490 = vector.broadcast %squeeze3A : f32 to vector<16xf32>
            %parallel_loop3A_491 = arith.mulf %parallel_loop3A_476, %parallel_loop3A_490 : vector<16xf32>
            %parallel_loop3A_492 = arith.constant 0 : i32
            %parallel_loop3A_493 = arith.constant 0 : i32
            %parallel_loop3A_494 = tpu.memref_slice %arg8[%scan3A_232, %parallel_loop3A_492, %parallel_loop3A_493] : memref<2x8x256xf32, #tpu.memory_space<vmem>> -> memref<1x8x256xf32, #tpu.memory_space<vmem>>
            %parallel_loop3A_495 = tpu.memref_squeeze %parallel_loop3A_494 : memref<1x8x256xf32, #tpu.memory_space<vmem>> -> memref<8x256xf32, #tpu.memory_space<vmem>>
            tpu.vector_store_idx %parallel_loop3A_495[%broadcast_in_dim3A, %parallel_loop3A_489], %parallel_loop3A_491 : memref<8x256xf32, #tpu.memory_space<vmem>>[vector<16xi32>, vector<16xi32>], vector<16xf32>,
          } {sc.loop_unroll_factor = 2 : i64, sc.parallel_access}
        }
        %scan3A_237 = arith.constant 8 : i32
        %add3A_238 = arith.addi %select_n3A, %add3A_212 : i32
        %mul3A_239 = arith.constant 8 : i32
        %mul3A_240 = arith.muli %add3A_238, %mul3A_239 : i32
        %dma_start3A_241 = arith.constant 0 : i32
        %dma_start3A_242 = arith.constant 0 : i32
        %dma_start3A_243 = arith.constant 0 : i32
        %dma_start3A_244 = tpu.memref_slice %arg8[%dma_start3A_241, %dma_start3A_242, %dma_start3A_243] : memref<2x8x256xf32, #tpu.memory_space<vmem>> -> memref<1x8x256xf32, #tpu.memory_space<vmem>>
        %dma_start3A_245 = tpu.memref_squeeze %dma_start3A_244 : memref<1x8x256xf32, #tpu.memory_space<vmem>> -> memref<8x256xf32, #tpu.memory_space<vmem>>
        %dma_start3A_246 = arith.constant 0 : i32
        %dma_start3A_247 = tpu.memref_slice %arg5[%mul3A_240, %dma_start3A_246] : memref<10000x256xf32, #tpu.memory_space<hbm>> -> memref<8x256xf32, #tpu.memory_space<hbm>>
        %dma_start3A_248 = arith.constant 0 : i32
        %dma_start3A_249 = tpu.memref_slice %arg5[%mul3A_240, %dma_start3A_248] : memref<10000x256xf32, #tpu.memory_space<hbm>> -> memref<8x256xf32, #tpu.memory_space<hbm>>
        %dma_start3A_250 = arith.constant 0 : i32
        %dma_start3A_251 = arith.constant 0 : i32
        %dma_start3A_252 = tpu.memref_slice %arg8[%dma_start3A_241, %dma_start3A_250, %dma_start3A_251] : memref<2x8x256xf32, #tpu.memory_space<vmem>> -> memref<1x8x256xf32, #tpu.memory_space<vmem>>
        %dma_start3A_253 = tpu.memref_squeeze %dma_start3A_252 : memref<1x8x256xf32, #tpu.memory_space<vmem>> -> memref<8x256xf32, #tpu.memory_space<vmem>>
        tpu.enqueue_dma source(%dma_start3A_253 : memref<8x256xf32, #tpu.memory_space<vmem>>) target(%dma_start3A_249 : memref<8x256xf32, #tpu.memory_space<hbm>>) target_semaphore(%arg13 : memref<!tpu.dma_semaphore, #tpu.memory_space<semaphore_mem>>)
        %add3A_254 = arith.constant 4 : i32
        %add3A_255 = arith.addi %add3A_212, %add3A_254 : i32
        %lt3A_256 = arith.cmpi slt, %add3A_255, %sub3A_48 : i32
        %convert_element_type3A_257 = arith.extui %lt3A_256 : i1 to i32
        %cond3A_258 = arith.constant 0 : i32
        %cond3A_259 = arith.cmpi ne, %convert_element_type3A_257, %cond3A_258 : i32
        scf.if %cond3A_259 {
          %add3A_260 = arith.constant 4 : i32
          %add3A_261 = arith.addi %add3A_212, %add3A_260 : i32
          %mul3A_262 = arith.constant 128 : i32
          %mul3A_263 = arith.muli %add3A_261, %mul3A_262 : i32
          %dma_start3A_264 = arith.constant 0 : i32
          %dma_start3A_265 = arith.constant 0 : i32
          %dma_start3A_266 = arith.constant 0 : i32
          %dma_start3A_267 = tpu.memref_slice %arg7[%dma_start3A_264, %dma_start3A_265, %dma_start3A_266] : memref<4x128x128xi32, #tpu.memory_space<vmem>> -> memref<1x128x128xi32, #tpu.memory_space<vmem>>
          %dma_start3A_268 = tpu.memref_squeeze %dma_start3A_267 : memref<1x128x128xi32, #tpu.memory_space<vmem>> -> memref<128x128xi32, #tpu.memory_space<vmem>>
          %dma_start3A_269 = tpu.memref_slice %arg6[%mul3A_263] : memref<5120xi32, #tpu.memory_space<vmem>> -> memref<128xi32, #tpu.memory_space<vmem>>
          %dma_start3A_270 = arith.constant 0 : i32
          %dma_start3A_271 = arith.constant 0 : i32
          %dma_start3A_272 = tpu.memref_slice %arg2[%dma_start3A_270, %dma_start3A_271] : memref<10000x128xi32, #tpu.memory_space<hbm>> -> memref<10000x128xi32, #tpu.memory_space<hbm>>
          tpu.enqueue_indirect_dma source(%dma_start3A_272 : memref<10000x128xi32, #tpu.memory_space<hbm>>) target(%dma_start3A_268 : memref<128x128xi32, #tpu.memory_space<vmem>>) offsets(%dma_start3A_269 : memref<128xi32, #tpu.memory_space<vmem>>) semaphore(%arg9 : memref<!tpu.dma_semaphore, #tpu.memory_space<semaphore_mem>>)
        } else {
        }
      } else {
      }
      %add3A_193 = arith.constant 1 : i32
      %add3A_194 = arith.addi %mul3A_189, %add3A_193 : i32
      %lt3A_195 = arith.cmpi slt, %add3A_194, %sub3A_48 : i32
      %convert_element_type3A_196 = arith.extui %lt3A_195 : i1 to i32
      %cond3A_197 = arith.constant 0 : i32
      %cond3A_198 = arith.cmpi ne, %convert_element_type3A_196, %cond3A_197 : i32
      scf.if %cond3A_198 {
        %add3A_211 = arith.constant 1 : i32
        %add3A_212 = arith.addi %mul3A_189, %add3A_211 : i32
        %mul3A_213 = arith.constant 128 : i32
        %mul3A_214 = arith.muli %add3A_212, %mul3A_213 : i32
        %dma_wait3A_215 = arith.constant 1 : i32
        %dma_wait3A_216 = arith.constant 0 : i32
        %dma_wait3A_217 = arith.constant 0 : i32
        %dma_wait3A_218 = tpu.memref_slice %arg7[%dma_wait3A_215, %dma_wait3A_216, %dma_wait3A_217] : memref<4x128x128xi32, #tpu.memory_space<vmem>> -> memref<1x128x128xi32, #tpu.memory_space<vmem>>
        %dma_wait3A_219 = tpu.memref_squeeze %dma_wait3A_218 : memref<1x128x128xi32, #tpu.memory_space<vmem>> -> memref<128x128xi32, #tpu.memory_space<vmem>>
        %dma_wait3A_220 = tpu.memref_slice %arg6[%mul3A_214] : memref<5120xi32, #tpu.memory_space<vmem>> -> memref<128xi32, #tpu.memory_space<vmem>>
        %dma_wait3A_221 = arith.constant 0 : i32
        %dma_wait3A_222 = arith.constant 0 : i32
        %dma_wait3A_223 = tpu.memref_slice %arg2[%dma_wait3A_221, %dma_wait3A_222] : memref<10000x128xi32, #tpu.memory_space<hbm>> -> memref<10000x128xi32, #tpu.memory_space<hbm>>
        tpu.wait_indirect_dma semaphore(%arg10 : memref<!tpu.dma_semaphore, #tpu.memory_space<semaphore_mem>>) src(%dma_wait3A_223 : memref<10000x128xi32, #tpu.memory_space<hbm>>) dst(%dma_wait3A_219 : memref<128x128xi32, #tpu.memory_space<vmem>>)
        %ge3A = arith.constant 2 : i32
        %ge3A_224 = arith.cmpi sge, %add3A_212, %ge3A : i32
        %convert_element_type3A_225 = arith.extui %ge3A_224 : i1 to i32
        %cond3A_226 = arith.constant 0 : i32
        %cond3A_227 = arith.cmpi ne, %convert_element_type3A_225, %cond3A_226 : i32
        scf.if %cond3A_227 {
          %sub3A_260 = arith.constant 2 : i32
          %sub3A_261 = arith.subi %add3A_212, %sub3A_260 : i32
          %add3A_262 = arith.addi %select_n3A, %sub3A_261 : i32
          %mul3A_263 = arith.constant 8 : i32
          %mul3A_264 = arith.muli %add3A_262, %mul3A_263 : i32
          %dma_wait3A_265 = arith.constant 1 : i32
          %dma_wait3A_266 = arith.constant 0 : i32
          %dma_wait3A_267 = arith.constant 0 : i32
          %dma_wait3A_268 = tpu.memref_slice %arg8[%dma_wait3A_265, %dma_wait3A_266, %dma_wait3A_267] : memref<2x8x256xf32, #tpu.memory_space<vmem>> -> memref<1x8x256xf32, #tpu.memory_space<vmem>>
          %dma_wait3A_269 = tpu.memref_squeeze %dma_wait3A_268 : memref<1x8x256xf32, #tpu.memory_space<vmem>> -> memref<8x256xf32, #tpu.memory_space<vmem>>
          %dma_wait3A_270 = arith.constant 0 : i32
          %dma_wait3A_271 = tpu.memref_slice %arg5[%mul3A_264, %dma_wait3A_270] : memref<10000x256xf32, #tpu.memory_space<hbm>> -> memref<8x256xf32, #tpu.memory_space<hbm>>
          %dma_wait3A_272 = arith.constant 0 : i32
          %dma_wait3A_273 = tpu.memref_slice %arg5[%mul3A_264, %dma_wait3A_272] : memref<10000x256xf32, #tpu.memory_space<hbm>> -> memref<8x256xf32, #tpu.memory_space<hbm>>
          %dma_wait3A_274 = arith.constant 0 : i32
          %dma_wait3A_275 = arith.constant 0 : i32
          %dma_wait3A_276 = tpu.memref_slice %arg8[%dma_wait3A_265, %dma_wait3A_274, %dma_wait3A_275] : memref<2x8x256xf32, #tpu.memory_space<vmem>> -> memref<1x8x256xf32, #tpu.memory_space<vmem>>
          %dma_wait3A_277 = tpu.memref_squeeze %dma_wait3A_276 : memref<1x8x256xf32, #tpu.memory_space<vmem>> -> memref<8x256xf32, #tpu.memory_space<vmem>>
          tpu.wait_dma2 semaphore(%arg14 : memref<!tpu.dma_semaphore, #tpu.memory_space<semaphore_mem>>) src(%dma_wait3A_277 : memref<8x256xf32, #tpu.memory_space<vmem>>) dst(%dma_wait3A_273 : memref<8x256xf32, #tpu.memory_space<hbm>>)
        } else {
        }
        %iota3A = tpu.iota {dimensions = array<i32: 0>} : vector<16xi32>
        %mul3A_228 = arith.constant 2 : i32
        %mul3A_229 = vector.broadcast %mul3A_228 : i32 to vector<16xi32>
        %mul3A_230 = arith.muli %mul3A_229, %iota3A : vector<16xi32>
        %scan3A_231 = arith.constant 1 : i32
        %scan3A_232 = arith.constant 1 : i32
        %scan3A_233 = arith.constant 0 : i32
        %scan3A_234 = arith.constant 8 : i32
        %scan3A_235 = arith.addi %scan3A_233, %scan3A_234 : i32
        %scan3A_236 = arith.constant 1 : i32
        scf.for %scan3A_260 = %scan3A_233 to %scan3A_235 step %scan3A_236  : i32 {
          %mul3A_261 = arith.constant 1 : i32
          %mul3A_262 = arith.muli %scan3A_260, %mul3A_261 : i32
          %add3A_263 = arith.constant 0 : i32
          %add3A_264 = arith.addi %add3A_263, %mul3A_262 : i32
          %broadcast_in_dim3A = vector.broadcast %add3A_264 : i32 to vector<16xi32>
          %parallel_loop3A = arith.constant 0 : i32
          %parallel_loop3A_265 = arith.constant 128 : i32
          %parallel_loop3A_266 = arith.constant 16 : i32
          scf.for %parallel_loop3A_267 = %parallel_loop3A to %parallel_loop3A_265 step %parallel_loop3A_266  : i32 {
            %parallel_loop3A_268 = arith.constant 16 : i32
            %parallel_loop3A_269 = arith.muli %add3A_264, %parallel_loop3A_268 : i32
            %parallel_loop3A_270 = arith.constant 0 : i32
            %parallel_loop3A_271 = arith.addi %parallel_loop3A_269, %parallel_loop3A_270 : i32
            %parallel_loop3A_272 = arith.constant 0 : i32
            %parallel_loop3A_273 = arith.constant 0 : i32
            %parallel_loop3A_274 = tpu.memref_slice %arg7[%scan3A_231, %parallel_loop3A_272, %parallel_loop3A_273] : memref<4x128x128xi32, #tpu.memory_space<vmem>> -> memref<1x128x128xi32, #tpu.memory_space<vmem>>
            %parallel_loop3A_275 = tpu.memref_squeeze %parallel_loop3A_274 : memref<1x128x128xi32, #tpu.memory_space<vmem>> -> memref<128x128xi32, #tpu.memory_space<vmem>>
            %parallel_loop3A_276 = arith.index_cast %parallel_loop3A_271 : i32 to index
            %parallel_loop3A_277 = arith.index_cast %parallel_loop3A_267 : i32 to index
            %parallel_loop3A_278 = tpu.vector_load %parallel_loop3A_275[%parallel_loop3A_276, %parallel_loop3A_277] {strides = array<i32>} : memref<128x128xi32, #tpu.memory_space<vmem>>, vector<16xi32>,
            %parallel_loop3A_279 = vector.bitcast %parallel_loop3A_278 : vector<16xi32> to vector<32xbf16>
            %parallel_loop3A_280 = arith.constant 16 : i32
            %parallel_loop3A_281 = arith.muli %add3A_264, %parallel_loop3A_280 : i32
            %parallel_loop3A_282 = arith.constant 1 : i32
            %parallel_loop3A_283 = arith.addi %parallel_loop3A_281, %parallel_loop3A_282 : i32
            %parallel_loop3A_284 = arith.constant 0 : i32
            %parallel_loop3A_285 = arith.constant 0 : i32
            %parallel_loop3A_286 = tpu.memref_slice %arg7[%scan3A_231, %parallel_loop3A_284, %parallel_loop3A_285] : memref<4x128x128xi32, #tpu.memory_space<vmem>> -> memref<1x128x128xi32, #tpu.memory_space<vmem>>
            %parallel_loop3A_287 = tpu.memref_squeeze %parallel_loop3A_286 : memref<1x128x128xi32, #tpu.memory_space<vmem>> -> memref<128x128xi32, #tpu.memory_space<vmem>>
            %parallel_loop3A_288 = arith.index_cast %parallel_loop3A_283 : i32 to index
            %parallel_loop3A_289 = arith.index_cast %parallel_loop3A_267 : i32 to index
            %parallel_loop3A_290 = tpu.vector_load %parallel_loop3A_287[%parallel_loop3A_288, %parallel_loop3A_289] {strides = array<i32>} : memref<128x128xi32, #tpu.memory_space<vmem>>, vector<16xi32>,
            %parallel_loop3A_291 = vector.bitcast %parallel_loop3A_290 : vector<16xi32> to vector<32xbf16>
            %parallel_loop3A_292 = arith.constant 16 : i32
            %parallel_loop3A_293 = arith.muli %add3A_264, %parallel_loop3A_292 : i32
            %parallel_loop3A_294 = arith.constant 2 : i32
            %parallel_loop3A_295 = arith.addi %parallel_loop3A_293, %parallel_loop3A_294 : i32
            %parallel_loop3A_296 = arith.constant 0 : i32
            %parallel_loop3A_297 = arith.constant 0 : i32
            %parallel_loop3A_298 = tpu.memref_slice %arg7[%scan3A_231, %parallel_loop3A_296, %parallel_loop3A_297] : memref<4x128x128xi32, #tpu.memory_space<vmem>> -> memref<1x128x128xi32, #tpu.memory_space<vmem>>
            %parallel_loop3A_299 = tpu.memref_squeeze %parallel_loop3A_298 : memref<1x128x128xi32, #tpu.memory_space<vmem>> -> memref<128x128xi32, #tpu.memory_space<vmem>>
            %parallel_loop3A_300 = arith.index_cast %parallel_loop3A_295 : i32 to index
            %parallel_loop3A_301 = arith.index_cast %parallel_loop3A_267 : i32 to index
            %parallel_loop3A_302 = tpu.vector_load %parallel_loop3A_299[%parallel_loop3A_300, %parallel_loop3A_301] {strides = array<i32>} : memref<128x128xi32, #tpu.memory_space<vmem>>, vector<16xi32>,
            %parallel_loop3A_303 = vector.bitcast %parallel_loop3A_302 : vector<16xi32> to vector<32xbf16>
            %parallel_loop3A_304 = arith.constant 16 : i32
            %parallel_loop3A_305 = arith.muli %add3A_264, %parallel_loop3A_304 : i32
            %parallel_loop3A_306 = arith.constant 3 : i32
            %parallel_loop3A_307 = arith.addi %parallel_loop3A_305, %parallel_loop3A_306 : i32
            %parallel_loop3A_308 = arith.constant 0 : i32
            %parallel_loop3A_309 = arith.constant 0 : i32
            %parallel_loop3A_310 = tpu.memref_slice %arg7[%scan3A_231, %parallel_loop3A_308, %parallel_loop3A_309] : memref<4x128x128xi32, #tpu.memory_space<vmem>> -> memref<1x128x128xi32, #tpu.memory_space<vmem>>
            %parallel_loop3A_311 = tpu.memref_squeeze %parallel_loop3A_310 : memref<1x128x128xi32, #tpu.memory_space<vmem>> -> memref<128x128xi32, #tpu.memory_space<vmem>>
            %parallel_loop3A_312 = arith.index_cast %parallel_loop3A_307 : i32 to index
            %parallel_loop3A_313 = arith.index_cast %parallel_loop3A_267 : i32 to index
            %parallel_loop3A_314 = tpu.vector_load %parallel_loop3A_311[%parallel_loop3A_312, %parallel_loop3A_313] {strides = array<i32>} : memref<128x128xi32, #tpu.memory_space<vmem>>, vector<16xi32>,
            %parallel_loop3A_315 = vector.bitcast %parallel_loop3A_314 : vector<16xi32> to vector<32xbf16>
            %parallel_loop3A_316 = arith.constant 16 : i32
            %parallel_loop3A_317 = arith.muli %add3A_264, %parallel_loop3A_316 : i32
            %parallel_loop3A_318 = arith.constant 4 : i32
            %parallel_loop3A_319 = arith.addi %parallel_loop3A_317, %parallel_loop3A_318 : i32
            %parallel_loop3A_320 = arith.constant 0 : i32
            %parallel_loop3A_321 = arith.constant 0 : i32
            %parallel_loop3A_322 = tpu.memref_slice %arg7[%scan3A_231, %parallel_loop3A_320, %parallel_loop3A_321] : memref<4x128x128xi32, #tpu.memory_space<vmem>> -> memref<1x128x128xi32, #tpu.memory_space<vmem>>
            %parallel_loop3A_323 = tpu.memref_squeeze %parallel_loop3A_322 : memref<1x128x128xi32, #tpu.memory_space<vmem>> -> memref<128x128xi32, #tpu.memory_space<vmem>>
            %parallel_loop3A_324 = arith.index_cast %parallel_loop3A_319 : i32 to index
            %parallel_loop3A_325 = arith.index_cast %parallel_loop3A_267 : i32 to index
            %parallel_loop3A_326 = tpu.vector_load %parallel_loop3A_323[%parallel_loop3A_324, %parallel_loop3A_325] {strides = array<i32>} : memref<128x128xi32, #tpu.memory_space<vmem>>, vector<16xi32>,
            %parallel_loop3A_327 = vector.bitcast %parallel_loop3A_326 : vector<16xi32> to vector<32xbf16>
            %parallel_loop3A_328 = arith.constant 16 : i32
            %parallel_loop3A_329 = arith.muli %add3A_264, %parallel_loop3A_328 : i32
            %parallel_loop3A_330 = arith.constant 5 : i32
            %parallel_loop3A_331 = arith.addi %parallel_loop3A_329, %parallel_loop3A_330 : i32
            %parallel_loop3A_332 = arith.constant 0 : i32
            %parallel_loop3A_333 = arith.constant 0 : i32
            %parallel_loop3A_334 = tpu.memref_slice %arg7[%scan3A_231, %parallel_loop3A_332, %parallel_loop3A_333] : memref<4x128x128xi32, #tpu.memory_space<vmem>> -> memref<1x128x128xi32, #tpu.memory_space<vmem>>
            %parallel_loop3A_335 = tpu.memref_squeeze %parallel_loop3A_334 : memref<1x128x128xi32, #tpu.memory_space<vmem>> -> memref<128x128xi32, #tpu.memory_space<vmem>>
            %parallel_loop3A_336 = arith.index_cast %parallel_loop3A_331 : i32 to index
            %parallel_loop3A_337 = arith.index_cast %parallel_loop3A_267 : i32 to index
            %parallel_loop3A_338 = tpu.vector_load %parallel_loop3A_335[%parallel_loop3A_336, %parallel_loop3A_337] {strides = array<i32>} : memref<128x128xi32, #tpu.memory_space<vmem>>, vector<16xi32>,
            %parallel_loop3A_339 = vector.bitcast %parallel_loop3A_338 : vector<16xi32> to vector<32xbf16>
            %parallel_loop3A_340 = arith.constant 16 : i32
            %parallel_loop3A_341 = arith.muli %add3A_264, %parallel_loop3A_340 : i32
            %parallel_loop3A_342 = arith.constant 6 : i32
            %parallel_loop3A_343 = arith.addi %parallel_loop3A_341, %parallel_loop3A_342 : i32
            %parallel_loop3A_344 = arith.constant 0 : i32
            %parallel_loop3A_345 = arith.constant 0 : i32
            %parallel_loop3A_346 = tpu.memref_slice %arg7[%scan3A_231, %parallel_loop3A_344, %parallel_loop3A_345] : memref<4x128x128xi32, #tpu.memory_space<vmem>> -> memref<1x128x128xi32, #tpu.memory_space<vmem>>
            %parallel_loop3A_347 = tpu.memref_squeeze %parallel_loop3A_346 : memref<1x128x128xi32, #tpu.memory_space<vmem>> -> memref<128x128xi32, #tpu.memory_space<vmem>>
            %parallel_loop3A_348 = arith.index_cast %parallel_loop3A_343 : i32 to index
            %parallel_loop3A_349 = arith.index_cast %parallel_loop3A_267 : i32 to index
            %parallel_loop3A_350 = tpu.vector_load %parallel_loop3A_347[%parallel_loop3A_348, %parallel_loop3A_349] {strides = array<i32>} : memref<128x128xi32, #tpu.memory_space<vmem>>, vector<16xi32>,
            %parallel_loop3A_351 = vector.bitcast %parallel_loop3A_350 : vector<16xi32> to vector<32xbf16>
            %parallel_loop3A_352 = arith.constant 16 : i32
            %parallel_loop3A_353 = arith.muli %add3A_264, %parallel_loop3A_352 : i32
            %parallel_loop3A_354 = arith.constant 7 : i32
            %parallel_loop3A_355 = arith.addi %parallel_loop3A_353, %parallel_loop3A_354 : i32
            %parallel_loop3A_356 = arith.constant 0 : i32
            %parallel_loop3A_357 = arith.constant 0 : i32
            %parallel_loop3A_358 = tpu.memref_slice %arg7[%scan3A_231, %parallel_loop3A_356, %parallel_loop3A_357] : memref<4x128x128xi32, #tpu.memory_space<vmem>> -> memref<1x128x128xi32, #tpu.memory_space<vmem>>
            %parallel_loop3A_359 = tpu.memref_squeeze %parallel_loop3A_358 : memref<1x128x128xi32, #tpu.memory_space<vmem>> -> memref<128x128xi32, #tpu.memory_space<vmem>>
            %parallel_loop3A_360 = arith.index_cast %parallel_loop3A_355 : i32 to index
            %parallel_loop3A_361 = arith.index_cast %parallel_loop3A_267 : i32 to index
            %parallel_loop3A_362 = tpu.vector_load %parallel_loop3A_359[%parallel_loop3A_360, %parallel_loop3A_361] {strides = array<i32>} : memref<128x128xi32, #tpu.memory_space<vmem>>, vector<16xi32>,
            %parallel_loop3A_363 = vector.bitcast %parallel_loop3A_362 : vector<16xi32> to vector<32xbf16>
            %parallel_loop3A_364 = arith.constant 16 : i32
            %parallel_loop3A_365 = arith.muli %add3A_264, %parallel_loop3A_364 : i32
            %parallel_loop3A_366 = arith.constant 8 : i32
            %parallel_loop3A_367 = arith.addi %parallel_loop3A_365, %parallel_loop3A_366 : i32
            %parallel_loop3A_368 = arith.constant 0 : i32
            %parallel_loop3A_369 = arith.constant 0 : i32
            %parallel_loop3A_370 = tpu.memref_slice %arg7[%scan3A_231, %parallel_loop3A_368, %parallel_loop3A_369] : memref<4x128x128xi32, #tpu.memory_space<vmem>> -> memref<1x128x128xi32, #tpu.memory_space<vmem>>
            %parallel_loop3A_371 = tpu.memref_squeeze %parallel_loop3A_370 : memref<1x128x128xi32, #tpu.memory_space<vmem>> -> memref<128x128xi32, #tpu.memory_space<vmem>>
            %parallel_loop3A_372 = arith.index_cast %parallel_loop3A_367 : i32 to index
            %parallel_loop3A_373 = arith.index_cast %parallel_loop3A_267 : i32 to index
            %parallel_loop3A_374 = tpu.vector_load %parallel_loop3A_371[%parallel_loop3A_372, %parallel_loop3A_373] {strides = array<i32>} : memref<128x128xi32, #tpu.memory_space<vmem>>, vector<16xi32>,
            %parallel_loop3A_375 = vector.bitcast %parallel_loop3A_374 : vector<16xi32> to vector<32xbf16>
            %parallel_loop3A_376 = arith.constant 16 : i32
            %parallel_loop3A_377 = arith.muli %add3A_264, %parallel_loop3A_376 : i32
            %parallel_loop3A_378 = arith.constant 9 : i32
            %parallel_loop3A_379 = arith.addi %parallel_loop3A_377, %parallel_loop3A_378 : i32
            %parallel_loop3A_380 = arith.constant 0 : i32
            %parallel_loop3A_381 = arith.constant 0 : i32
            %parallel_loop3A_382 = tpu.memref_slice %arg7[%scan3A_231, %parallel_loop3A_380, %parallel_loop3A_381] : memref<4x128x128xi32, #tpu.memory_space<vmem>> -> memref<1x128x128xi32, #tpu.memory_space<vmem>>
            %parallel_loop3A_383 = tpu.memref_squeeze %parallel_loop3A_382 : memref<1x128x128xi32, #tpu.memory_space<vmem>> -> memref<128x128xi32, #tpu.memory_space<vmem>>
            %parallel_loop3A_384 = arith.index_cast %parallel_loop3A_379 : i32 to index
            %parallel_loop3A_385 = arith.index_cast %parallel_loop3A_267 : i32 to index
            %parallel_loop3A_386 = tpu.vector_load %parallel_loop3A_383[%parallel_loop3A_384, %parallel_loop3A_385] {strides = array<i32>} : memref<128x128xi32, #tpu.memory_space<vmem>>, vector<16xi32>,
            %parallel_loop3A_387 = vector.bitcast %parallel_loop3A_386 : vector<16xi32> to vector<32xbf16>
            %parallel_loop3A_388 = arith.constant 16 : i32
            %parallel_loop3A_389 = arith.muli %add3A_264, %parallel_loop3A_388 : i32
            %parallel_loop3A_390 = arith.constant 10 : i32
            %parallel_loop3A_391 = arith.addi %parallel_loop3A_389, %parallel_loop3A_390 : i32
            %parallel_loop3A_392 = arith.constant 0 : i32
            %parallel_loop3A_393 = arith.constant 0 : i32
            %parallel_loop3A_394 = tpu.memref_slice %arg7[%scan3A_231, %parallel_loop3A_392, %parallel_loop3A_393] : memref<4x128x128xi32, #tpu.memory_space<vmem>> -> memref<1x128x128xi32, #tpu.memory_space<vmem>>
            %parallel_loop3A_395 = tpu.memref_squeeze %parallel_loop3A_394 : memref<1x128x128xi32, #tpu.memory_space<vmem>> -> memref<128x128xi32, #tpu.memory_space<vmem>>
            %parallel_loop3A_396 = arith.index_cast %parallel_loop3A_391 : i32 to index
            %parallel_loop3A_397 = arith.index_cast %parallel_loop3A_267 : i32 to index
            %parallel_loop3A_398 = tpu.vector_load %parallel_loop3A_395[%parallel_loop3A_396, %parallel_loop3A_397] {strides = array<i32>} : memref<128x128xi32, #tpu.memory_space<vmem>>, vector<16xi32>,
            %parallel_loop3A_399 = vector.bitcast %parallel_loop3A_398 : vector<16xi32> to vector<32xbf16>
            %parallel_loop3A_400 = arith.constant 16 : i32
            %parallel_loop3A_401 = arith.muli %add3A_264, %parallel_loop3A_400 : i32
            %parallel_loop3A_402 = arith.constant 11 : i32
            %parallel_loop3A_403 = arith.addi %parallel_loop3A_401, %parallel_loop3A_402 : i32
            %parallel_loop3A_404 = arith.constant 0 : i32
            %parallel_loop3A_405 = arith.constant 0 : i32
            %parallel_loop3A_406 = tpu.memref_slice %arg7[%scan3A_231, %parallel_loop3A_404, %parallel_loop3A_405] : memref<4x128x128xi32, #tpu.memory_space<vmem>> -> memref<1x128x128xi32, #tpu.memory_space<vmem>>
            %parallel_loop3A_407 = tpu.memref_squeeze %parallel_loop3A_406 : memref<1x128x128xi32, #tpu.memory_space<vmem>> -> memref<128x128xi32, #tpu.memory_space<vmem>>
            %parallel_loop3A_408 = arith.index_cast %parallel_loop3A_403 : i32 to index
            %parallel_loop3A_409 = arith.index_cast %parallel_loop3A_267 : i32 to index
            %parallel_loop3A_410 = tpu.vector_load %parallel_loop3A_407[%parallel_loop3A_408, %parallel_loop3A_409] {strides = array<i32>} : memref<128x128xi32, #tpu.memory_space<vmem>>, vector<16xi32>,
            %parallel_loop3A_411 = vector.bitcast %parallel_loop3A_410 : vector<16xi32> to vector<32xbf16>
            %parallel_loop3A_412 = arith.constant 16 : i32
            %parallel_loop3A_413 = arith.muli %add3A_264, %parallel_loop3A_412 : i32
            %parallel_loop3A_414 = arith.constant 12 : i32
            %parallel_loop3A_415 = arith.addi %parallel_loop3A_413, %parallel_loop3A_414 : i32
            %parallel_loop3A_416 = arith.constant 0 : i32
            %parallel_loop3A_417 = arith.constant 0 : i32
            %parallel_loop3A_418 = tpu.memref_slice %arg7[%scan3A_231, %parallel_loop3A_416, %parallel_loop3A_417] : memref<4x128x128xi32, #tpu.memory_space<vmem>> -> memref<1x128x128xi32, #tpu.memory_space<vmem>>
            %parallel_loop3A_419 = tpu.memref_squeeze %parallel_loop3A_418 : memref<1x128x128xi32, #tpu.memory_space<vmem>> -> memref<128x128xi32, #tpu.memory_space<vmem>>
            %parallel_loop3A_420 = arith.index_cast %parallel_loop3A_415 : i32 to index
            %parallel_loop3A_421 = arith.index_cast %parallel_loop3A_267 : i32 to index
            %parallel_loop3A_422 = tpu.vector_load %parallel_loop3A_419[%parallel_loop3A_420, %parallel_loop3A_421] {strides = array<i32>} : memref<128x128xi32, #tpu.memory_space<vmem>>, vector<16xi32>,
            %parallel_loop3A_423 = vector.bitcast %parallel_loop3A_422 : vector<16xi32> to vector<32xbf16>
            %parallel_loop3A_424 = arith.constant 16 : i32
            %parallel_loop3A_425 = arith.muli %add3A_264, %parallel_loop3A_424 : i32
            %parallel_loop3A_426 = arith.constant 13 : i32
            %parallel_loop3A_427 = arith.addi %parallel_loop3A_425, %parallel_loop3A_426 : i32
            %parallel_loop3A_428 = arith.constant 0 : i32
            %parallel_loop3A_429 = arith.constant 0 : i32
            %parallel_loop3A_430 = tpu.memref_slice %arg7[%scan3A_231, %parallel_loop3A_428, %parallel_loop3A_429] : memref<4x128x128xi32, #tpu.memory_space<vmem>> -> memref<1x128x128xi32, #tpu.memory_space<vmem>>
            %parallel_loop3A_431 = tpu.memref_squeeze %parallel_loop3A_430 : memref<1x128x128xi32, #tpu.memory_space<vmem>> -> memref<128x128xi32, #tpu.memory_space<vmem>>
            %parallel_loop3A_432 = arith.index_cast %parallel_loop3A_427 : i32 to index
            %parallel_loop3A_433 = arith.index_cast %parallel_loop3A_267 : i32 to index
            %parallel_loop3A_434 = tpu.vector_load %parallel_loop3A_431[%parallel_loop3A_432, %parallel_loop3A_433] {strides = array<i32>} : memref<128x128xi32, #tpu.memory_space<vmem>>, vector<16xi32>,
            %parallel_loop3A_435 = vector.bitcast %parallel_loop3A_434 : vector<16xi32> to vector<32xbf16>
            %parallel_loop3A_436 = arith.constant 16 : i32
            %parallel_loop3A_437 = arith.muli %add3A_264, %parallel_loop3A_436 : i32
            %parallel_loop3A_438 = arith.constant 14 : i32
            %parallel_loop3A_439 = arith.addi %parallel_loop3A_437, %parallel_loop3A_438 : i32
            %parallel_loop3A_440 = arith.constant 0 : i32
            %parallel_loop3A_441 = arith.constant 0 : i32
            %parallel_loop3A_442 = tpu.memref_slice %arg7[%scan3A_231, %parallel_loop3A_440, %parallel_loop3A_441] : memref<4x128x128xi32, #tpu.memory_space<vmem>> -> memref<1x128x128xi32, #tpu.memory_space<vmem>>
            %parallel_loop3A_443 = tpu.memref_squeeze %parallel_loop3A_442 : memref<1x128x128xi32, #tpu.memory_space<vmem>> -> memref<128x128xi32, #tpu.memory_space<vmem>>
            %parallel_loop3A_444 = arith.index_cast %parallel_loop3A_439 : i32 to index
            %parallel_loop3A_445 = arith.index_cast %parallel_loop3A_267 : i32 to index
            %parallel_loop3A_446 = tpu.vector_load %parallel_loop3A_443[%parallel_loop3A_444, %parallel_loop3A_445] {strides = array<i32>} : memref<128x128xi32, #tpu.memory_space<vmem>>, vector<16xi32>,
            %parallel_loop3A_447 = vector.bitcast %parallel_loop3A_446 : vector<16xi32> to vector<32xbf16>
            %parallel_loop3A_448 = arith.constant 16 : i32
            %parallel_loop3A_449 = arith.muli %add3A_264, %parallel_loop3A_448 : i32
            %parallel_loop3A_450 = arith.constant 15 : i32
            %parallel_loop3A_451 = arith.addi %parallel_loop3A_449, %parallel_loop3A_450 : i32
            %parallel_loop3A_452 = arith.constant 0 : i32
            %parallel_loop3A_453 = arith.constant 0 : i32
            %parallel_loop3A_454 = tpu.memref_slice %arg7[%scan3A_231, %parallel_loop3A_452, %parallel_loop3A_453] : memref<4x128x128xi32, #tpu.memory_space<vmem>> -> memref<1x128x128xi32, #tpu.memory_space<vmem>>
            %parallel_loop3A_455 = tpu.memref_squeeze %parallel_loop3A_454 : memref<1x128x128xi32, #tpu.memory_space<vmem>> -> memref<128x128xi32, #tpu.memory_space<vmem>>
            %parallel_loop3A_456 = arith.index_cast %parallel_loop3A_451 : i32 to index
            %parallel_loop3A_457 = arith.index_cast %parallel_loop3A_267 : i32 to index
            %parallel_loop3A_458 = tpu.vector_load %parallel_loop3A_455[%parallel_loop3A_456, %parallel_loop3A_457] {strides = array<i32>} : memref<128x128xi32, #tpu.memory_space<vmem>>, vector<16xi32>,
            %parallel_loop3A_459 = vector.bitcast %parallel_loop3A_458 : vector<16xi32> to vector<32xbf16>
            %parallel_loop3A_460 = arith.addf %parallel_loop3A_279, %parallel_loop3A_291 : vector<32xbf16>
            %parallel_loop3A_461 = arith.addf %parallel_loop3A_303, %parallel_loop3A_315 : vector<32xbf16>
            %parallel_loop3A_462 = arith.addf %parallel_loop3A_327, %parallel_loop3A_339 : vector<32xbf16>
            %parallel_loop3A_463 = arith.addf %parallel_loop3A_351, %parallel_loop3A_363 : vector<32xbf16>
            %parallel_loop3A_464 = arith.addf %parallel_loop3A_375, %parallel_loop3A_387 : vector<32xbf16>
            %parallel_loop3A_465 = arith.addf %parallel_loop3A_399, %parallel_loop3A_411 : vector<32xbf16>
            %parallel_loop3A_466 = arith.addf %parallel_loop3A_423, %parallel_loop3A_435 : vector<32xbf16>
            %parallel_loop3A_467 = arith.addf %parallel_loop3A_447, %parallel_loop3A_459 : vector<32xbf16>
            %parallel_loop3A_468 = arith.addf %parallel_loop3A_460, %parallel_loop3A_461 : vector<32xbf16>
            %parallel_loop3A_469 = arith.addf %parallel_loop3A_462, %parallel_loop3A_463 : vector<32xbf16>
            %parallel_loop3A_470 = arith.addf %parallel_loop3A_464, %parallel_loop3A_465 : vector<32xbf16>
            %parallel_loop3A_471 = arith.addf %parallel_loop3A_466, %parallel_loop3A_467 : vector<32xbf16>
            %parallel_loop3A_472 = arith.addf %parallel_loop3A_468, %parallel_loop3A_469 : vector<32xbf16>
            %parallel_loop3A_473 = arith.addf %parallel_loop3A_470, %parallel_loop3A_471 : vector<32xbf16>
            %parallel_loop3A_474 = arith.addf %parallel_loop3A_472, %parallel_loop3A_473 : vector<32xbf16>
            %parallel_loop3A_475 = tpu.unpack_subelements %parallel_loop3A_474, 0 {pack_format = #tpu.pack_format<interleaved>} : vector<32xbf16> -> vector<16xf32>
            %parallel_loop3A_476 = tpu.unpack_subelements %parallel_loop3A_474, 1 {pack_format = #tpu.pack_format<interleaved>} : vector<32xbf16> -> vector<16xf32>
            %parallel_loop3A_477 = arith.constant 2 : i32
            %parallel_loop3A_478 = arith.muli %parallel_loop3A_477, %parallel_loop3A_267 : i32
            %parallel_loop3A_479 = vector.broadcast %parallel_loop3A_478 : i32 to vector<16xi32>
            %parallel_loop3A_480 = arith.addi %mul3A_230, %parallel_loop3A_479 : vector<16xi32>
            %parallel_loop3A_481 = vector.broadcast %squeeze3A : f32 to vector<16xf32>
            %parallel_loop3A_482 = arith.mulf %parallel_loop3A_475, %parallel_loop3A_481 : vector<16xf32>
            %parallel_loop3A_483 = arith.constant 0 : i32
            %parallel_loop3A_484 = arith.constant 0 : i32
            %parallel_loop3A_485 = tpu.memref_slice %arg8[%scan3A_232, %parallel_loop3A_483, %parallel_loop3A_484] : memref<2x8x256xf32, #tpu.memory_space<vmem>> -> memref<1x8x256xf32, #tpu.memory_space<vmem>>
            %parallel_loop3A_486 = tpu.memref_squeeze %parallel_loop3A_485 : memref<1x8x256xf32, #tpu.memory_space<vmem>> -> memref<8x256xf32, #tpu.memory_space<vmem>>
            tpu.vector_store_idx %parallel_loop3A_486[%broadcast_in_dim3A, %parallel_loop3A_480], %parallel_loop3A_482 : memref<8x256xf32, #tpu.memory_space<vmem>>[vector<16xi32>, vector<16xi32>], vector<16xf32>,
            %parallel_loop3A_487 = arith.constant 1 : i32
            %parallel_loop3A_488 = vector.broadcast %parallel_loop3A_487 : i32 to vector<16xi32>
            %parallel_loop3A_489 = arith.addi %parallel_loop3A_480, %parallel_loop3A_488 : vector<16xi32>
            %parallel_loop3A_490 = vector.broadcast %squeeze3A : f32 to vector<16xf32>
            %parallel_loop3A_491 = arith.mulf %parallel_loop3A_476, %parallel_loop3A_490 : vector<16xf32>
            %parallel_loop3A_492 = arith.constant 0 : i32
            %parallel_loop3A_493 = arith.constant 0 : i32
            %parallel_loop3A_494 = tpu.memref_slice %arg8[%scan3A_232, %parallel_loop3A_492, %parallel_loop3A_493] : memref<2x8x256xf32, #tpu.memory_space<vmem>> -> memref<1x8x256xf32, #tpu.memory_space<vmem>>
            %parallel_loop3A_495 = tpu.memref_squeeze %parallel_loop3A_494 : memref<1x8x256xf32, #tpu.memory_space<vmem>> -> memref<8x256xf32, #tpu.memory_space<vmem>>
            tpu.vector_store_idx %parallel_loop3A_495[%broadcast_in_dim3A, %parallel_loop3A_489], %parallel_loop3A_491 : memref<8x256xf32, #tpu.memory_space<vmem>>[vector<16xi32>, vector<16xi32>], vector<16xf32>,
          } {sc.loop_unroll_factor = 2 : i64, sc.parallel_access}
        }
        %scan3A_237 = arith.constant 8 : i32
        %add3A_238 = arith.addi %select_n3A, %add3A_212 : i32
        %mul3A_239 = arith.constant 8 : i32
        %mul3A_240 = arith.muli %add3A_238, %mul3A_239 : i32
        %dma_start3A_241 = arith.constant 1 : i32
        %dma_start3A_242 = arith.constant 0 : i32
        %dma_start3A_243 = arith.constant 0 : i32
        %dma_start3A_244 = tpu.memref_slice %arg8[%dma_start3A_241, %dma_start3A_242, %dma_start3A_243] : memref<2x8x256xf32, #tpu.memory_space<vmem>> -> memref<1x8x256xf32, #tpu.memory_space<vmem>>
        %dma_start3A_245 = tpu.memref_squeeze %dma_start3A_244 : memref<1x8x256xf32, #tpu.memory_space<vmem>> -> memref<8x256xf32, #tpu.memory_space<vmem>>
        %dma_start3A_246 = arith.constant 0 : i32
        %dma_start3A_247 = tpu.memref_slice %arg5[%mul3A_240, %dma_start3A_246] : memref<10000x256xf32, #tpu.memory_space<hbm>> -> memref<8x256xf32, #tpu.memory_space<hbm>>
        %dma_start3A_248 = arith.constant 0 : i32
        %dma_start3A_249 = tpu.memref_slice %arg5[%mul3A_240, %dma_start3A_248] : memref<10000x256xf32, #tpu.memory_space<hbm>> -> memref<8x256xf32, #tpu.memory_space<hbm>>
        %dma_start3A_250 = arith.constant 0 : i32
        %dma_start3A_251 = arith.constant 0 : i32
        %dma_start3A_252 = tpu.memref_slice %arg8[%dma_start3A_241, %dma_start3A_250, %dma_start3A_251] : memref<2x8x256xf32, #tpu.memory_space<vmem>> -> memref<1x8x256xf32, #tpu.memory_space<vmem>>
        %dma_start3A_253 = tpu.memref_squeeze %dma_start3A_252 : memref<1x8x256xf32, #tpu.memory_space<vmem>> -> memref<8x256xf32, #tpu.memory_space<vmem>>
        tpu.enqueue_dma source(%dma_start3A_253 : memref<8x256xf32, #tpu.memory_space<vmem>>) target(%dma_start3A_249 : memref<8x256xf32, #tpu.memory_space<hbm>>) target_semaphore(%arg14 : memref<!tpu.dma_semaphore, #tpu.memory_space<semaphore_mem>>)
        %add3A_254 = arith.constant 4 : i32
        %add3A_255 = arith.addi %add3A_212, %add3A_254 : i32
        %lt3A_256 = arith.cmpi slt, %add3A_255, %sub3A_48 : i32
        %convert_element_type3A_257 = arith.extui %lt3A_256 : i1 to i32
        %cond3A_258 = arith.constant 0 : i32
        %cond3A_259 = arith.cmpi ne, %convert_element_type3A_257, %cond3A_258 : i32
        scf.if %cond3A_259 {
          %add3A_260 = arith.constant 4 : i32
          %add3A_261 = arith.addi %add3A_212, %add3A_260 : i32
          %mul3A_262 = arith.constant 128 : i32
          %mul3A_263 = arith.muli %add3A_261, %mul3A_262 : i32
          %dma_start3A_264 = arith.constant 1 : i32
          %dma_start3A_265 = arith.constant 0 : i32
          %dma_start3A_266 = arith.constant 0 : i32
          %dma_start3A_267 = tpu.memref_slice %arg7[%dma_start3A_264, %dma_start3A_265, %dma_start3A_266] : memref<4x128x128xi32, #tpu.memory_space<vmem>> -> memref<1x128x128xi32, #tpu.memory_space<vmem>>
          %dma_start3A_268 = tpu.memref_squeeze %dma_start3A_267 : memref<1x128x128xi32, #tpu.memory_space<vmem>> -> memref<128x128xi32, #tpu.memory_space<vmem>>
          %dma_start3A_269 = tpu.memref_slice %arg6[%mul3A_263] : memref<5120xi32, #tpu.memory_space<vmem>> -> memref<128xi32, #tpu.memory_space<vmem>>
          %dma_start3A_270 = arith.constant 0 : i32
          %dma_start3A_271 = arith.constant 0 : i32
          %dma_start3A_272 = tpu.memref_slice %arg2[%dma_start3A_270, %dma_start3A_271] : memref<10000x128xi32, #tpu.memory_space<hbm>> -> memref<10000x128xi32, #tpu.memory_space<hbm>>
          tpu.enqueue_indirect_dma source(%dma_start3A_272 : memref<10000x128xi32, #tpu.memory_space<hbm>>) target(%dma_start3A_268 : memref<128x128xi32, #tpu.memory_space<vmem>>) offsets(%dma_start3A_269 : memref<128xi32, #tpu.memory_space<vmem>>) semaphore(%arg10 : memref<!tpu.dma_semaphore, #tpu.memory_space<semaphore_mem>>)
        } else {
        }
      } else {
      }
      %add3A_199 = arith.constant 2 : i32
      %add3A_200 = arith.addi %mul3A_189, %add3A_199 : i32
      %lt3A_201 = arith.cmpi slt, %add3A_200, %sub3A_48 : i32
      %convert_element_type3A_202 = arith.extui %lt3A_201 : i1 to i32
      %cond3A_203 = arith.constant 0 : i32
      %cond3A_204 = arith.cmpi ne, %convert_element_type3A_202, %cond3A_203 : i32
      scf.if %cond3A_204 {
        %add3A_211 = arith.constant 2 : i32
        %add3A_212 = arith.addi %mul3A_189, %add3A_211 : i32
        %mul3A_213 = arith.constant 128 : i32
        %mul3A_214 = arith.muli %add3A_212, %mul3A_213 : i32
        %dma_wait3A_215 = arith.constant 2 : i32
        %dma_wait3A_216 = arith.constant 0 : i32
        %dma_wait3A_217 = arith.constant 0 : i32
        %dma_wait3A_218 = tpu.memref_slice %arg7[%dma_wait3A_215, %dma_wait3A_216, %dma_wait3A_217] : memref<4x128x128xi32, #tpu.memory_space<vmem>> -> memref<1x128x128xi32, #tpu.memory_space<vmem>>
        %dma_wait3A_219 = tpu.memref_squeeze %dma_wait3A_218 : memref<1x128x128xi32, #tpu.memory_space<vmem>> -> memref<128x128xi32, #tpu.memory_space<vmem>>
        %dma_wait3A_220 = tpu.memref_slice %arg6[%mul3A_214] : memref<5120xi32, #tpu.memory_space<vmem>> -> memref<128xi32, #tpu.memory_space<vmem>>
        %dma_wait3A_221 = arith.constant 0 : i32
        %dma_wait3A_222 = arith.constant 0 : i32
        %dma_wait3A_223 = tpu.memref_slice %arg2[%dma_wait3A_221, %dma_wait3A_222] : memref<10000x128xi32, #tpu.memory_space<hbm>> -> memref<10000x128xi32, #tpu.memory_space<hbm>>
        tpu.wait_indirect_dma semaphore(%arg11 : memref<!tpu.dma_semaphore, #tpu.memory_space<semaphore_mem>>) src(%dma_wait3A_223 : memref<10000x128xi32, #tpu.memory_space<hbm>>) dst(%dma_wait3A_219 : memref<128x128xi32, #tpu.memory_space<vmem>>)
        %ge3A = arith.constant 2 : i32
        %ge3A_224 = arith.cmpi sge, %add3A_212, %ge3A : i32
        %convert_element_type3A_225 = arith.extui %ge3A_224 : i1 to i32
        %cond3A_226 = arith.constant 0 : i32
        %cond3A_227 = arith.cmpi ne, %convert_element_type3A_225, %cond3A_226 : i32
        scf.if %cond3A_227 {
          %sub3A_260 = arith.constant 2 : i32
          %sub3A_261 = arith.subi %add3A_212, %sub3A_260 : i32
          %add3A_262 = arith.addi %select_n3A, %sub3A_261 : i32
          %mul3A_263 = arith.constant 8 : i32
          %mul3A_264 = arith.muli %add3A_262, %mul3A_263 : i32
          %dma_wait3A_265 = arith.constant 0 : i32
          %dma_wait3A_266 = arith.constant 0 : i32
          %dma_wait3A_267 = arith.constant 0 : i32
          %dma_wait3A_268 = tpu.memref_slice %arg8[%dma_wait3A_265, %dma_wait3A_266, %dma_wait3A_267] : memref<2x8x256xf32, #tpu.memory_space<vmem>> -> memref<1x8x256xf32, #tpu.memory_space<vmem>>
          %dma_wait3A_269 = tpu.memref_squeeze %dma_wait3A_268 : memref<1x8x256xf32, #tpu.memory_space<vmem>> -> memref<8x256xf32, #tpu.memory_space<vmem>>
          %dma_wait3A_270 = arith.constant 0 : i32
          %dma_wait3A_271 = tpu.memref_slice %arg5[%mul3A_264, %dma_wait3A_270] : memref<10000x256xf32, #tpu.memory_space<hbm>> -> memref<8x256xf32, #tpu.memory_space<hbm>>
          %dma_wait3A_272 = arith.constant 0 : i32
          %dma_wait3A_273 = tpu.memref_slice %arg5[%mul3A_264, %dma_wait3A_272] : memref<10000x256xf32, #tpu.memory_space<hbm>> -> memref<8x256xf32, #tpu.memory_space<hbm>>
          %dma_wait3A_274 = arith.constant 0 : i32
          %dma_wait3A_275 = arith.constant 0 : i32
          %dma_wait3A_276 = tpu.memref_slice %arg8[%dma_wait3A_265, %dma_wait3A_274, %dma_wait3A_275] : memref<2x8x256xf32, #tpu.memory_space<vmem>> -> memref<1x8x256xf32, #tpu.memory_space<vmem>>
          %dma_wait3A_277 = tpu.memref_squeeze %dma_wait3A_276 : memref<1x8x256xf32, #tpu.memory_space<vmem>> -> memref<8x256xf32, #tpu.memory_space<vmem>>
          tpu.wait_dma2 semaphore(%arg13 : memref<!tpu.dma_semaphore, #tpu.memory_space<semaphore_mem>>) src(%dma_wait3A_277 : memref<8x256xf32, #tpu.memory_space<vmem>>) dst(%dma_wait3A_273 : memref<8x256xf32, #tpu.memory_space<hbm>>)
        } else {
        }
        %iota3A = tpu.iota {dimensions = array<i32: 0>} : vector<16xi32>
        %mul3A_228 = arith.constant 2 : i32
        %mul3A_229 = vector.broadcast %mul3A_228 : i32 to vector<16xi32>
        %mul3A_230 = arith.muli %mul3A_229, %iota3A : vector<16xi32>
        %scan3A_231 = arith.constant 2 : i32
        %scan3A_232 = arith.constant 0 : i32
        %scan3A_233 = arith.constant 0 : i32
        %scan3A_234 = arith.constant 8 : i32
        %scan3A_235 = arith.addi %scan3A_233, %scan3A_234 : i32
        %scan3A_236 = arith.constant 1 : i32
        scf.for %scan3A_260 = %scan3A_233 to %scan3A_235 step %scan3A_236  : i32 {
          %mul3A_261 = arith.constant 1 : i32
          %mul3A_262 = arith.muli %scan3A_260, %mul3A_261 : i32
          %add3A_263 = arith.constant 0 : i32
          %add3A_264 = arith.addi %add3A_263, %mul3A_262 : i32
          %broadcast_in_dim3A = vector.broadcast %add3A_264 : i32 to vector<16xi32>
          %parallel_loop3A = arith.constant 0 : i32
          %parallel_loop3A_265 = arith.constant 128 : i32
          %parallel_loop3A_266 = arith.constant 16 : i32
          scf.for %parallel_loop3A_267 = %parallel_loop3A to %parallel_loop3A_265 step %parallel_loop3A_266  : i32 {
            %parallel_loop3A_268 = arith.constant 16 : i32
            %parallel_loop3A_269 = arith.muli %add3A_264, %parallel_loop3A_268 : i32
            %parallel_loop3A_270 = arith.constant 0 : i32
            %parallel_loop3A_271 = arith.addi %parallel_loop3A_269, %parallel_loop3A_270 : i32
            %parallel_loop3A_272 = arith.constant 0 : i32
            %parallel_loop3A_273 = arith.constant 0 : i32
            %parallel_loop3A_274 = tpu.memref_slice %arg7[%scan3A_231, %parallel_loop3A_272, %parallel_loop3A_273] : memref<4x128x128xi32, #tpu.memory_space<vmem>> -> memref<1x128x128xi32, #tpu.memory_space<vmem>>
            %parallel_loop3A_275 = tpu.memref_squeeze %parallel_loop3A_274 : memref<1x128x128xi32, #tpu.memory_space<vmem>> -> memref<128x128xi32, #tpu.memory_space<vmem>>
            %parallel_loop3A_276 = arith.index_cast %parallel_loop3A_271 : i32 to index
            %parallel_loop3A_277 = arith.index_cast %parallel_loop3A_267 : i32 to index
            %parallel_loop3A_278 = tpu.vector_load %parallel_loop3A_275[%parallel_loop3A_276, %parallel_loop3A_277] {strides = array<i32>} : memref<128x128xi32, #tpu.memory_space<vmem>>, vector<16xi32>,
            %parallel_loop3A_279 = vector.bitcast %parallel_loop3A_278 : vector<16xi32> to vector<32xbf16>
            %parallel_loop3A_280 = arith.constant 16 : i32
            %parallel_loop3A_281 = arith.muli %add3A_264, %parallel_loop3A_280 : i32
            %parallel_loop3A_282 = arith.constant 1 : i32
            %parallel_loop3A_283 = arith.addi %parallel_loop3A_281, %parallel_loop3A_282 : i32
            %parallel_loop3A_284 = arith.constant 0 : i32
            %parallel_loop3A_285 = arith.constant 0 : i32
            %parallel_loop3A_286 = tpu.memref_slice %arg7[%scan3A_231, %parallel_loop3A_284, %parallel_loop3A_285] : memref<4x128x128xi32, #tpu.memory_space<vmem>> -> memref<1x128x128xi32, #tpu.memory_space<vmem>>
            %parallel_loop3A_287 = tpu.memref_squeeze %parallel_loop3A_286 : memref<1x128x128xi32, #tpu.memory_space<vmem>> -> memref<128x128xi32, #tpu.memory_space<vmem>>
            %parallel_loop3A_288 = arith.index_cast %parallel_loop3A_283 : i32 to index
            %parallel_loop3A_289 = arith.index_cast %parallel_loop3A_267 : i32 to index
            %parallel_loop3A_290 = tpu.vector_load %parallel_loop3A_287[%parallel_loop3A_288, %parallel_loop3A_289] {strides = array<i32>} : memref<128x128xi32, #tpu.memory_space<vmem>>, vector<16xi32>,
            %parallel_loop3A_291 = vector.bitcast %parallel_loop3A_290 : vector<16xi32> to vector<32xbf16>
            %parallel_loop3A_292 = arith.constant 16 : i32
            %parallel_loop3A_293 = arith.muli %add3A_264, %parallel_loop3A_292 : i32
            %parallel_loop3A_294 = arith.constant 2 : i32
            %parallel_loop3A_295 = arith.addi %parallel_loop3A_293, %parallel_loop3A_294 : i32
            %parallel_loop3A_296 = arith.constant 0 : i32
            %parallel_loop3A_297 = arith.constant 0 : i32
            %parallel_loop3A_298 = tpu.memref_slice %arg7[%scan3A_231, %parallel_loop3A_296, %parallel_loop3A_297] : memref<4x128x128xi32, #tpu.memory_space<vmem>> -> memref<1x128x128xi32, #tpu.memory_space<vmem>>
            %parallel_loop3A_299 = tpu.memref_squeeze %parallel_loop3A_298 : memref<1x128x128xi32, #tpu.memory_space<vmem>> -> memref<128x128xi32, #tpu.memory_space<vmem>>
            %parallel_loop3A_300 = arith.index_cast %parallel_loop3A_295 : i32 to index
            %parallel_loop3A_301 = arith.index_cast %parallel_loop3A_267 : i32 to index
            %parallel_loop3A_302 = tpu.vector_load %parallel_loop3A_299[%parallel_loop3A_300, %parallel_loop3A_301] {strides = array<i32>} : memref<128x128xi32, #tpu.memory_space<vmem>>, vector<16xi32>,
            %parallel_loop3A_303 = vector.bitcast %parallel_loop3A_302 : vector<16xi32> to vector<32xbf16>
            %parallel_loop3A_304 = arith.constant 16 : i32
            %parallel_loop3A_305 = arith.muli %add3A_264, %parallel_loop3A_304 : i32
            %parallel_loop3A_306 = arith.constant 3 : i32
            %parallel_loop3A_307 = arith.addi %parallel_loop3A_305, %parallel_loop3A_306 : i32
            %parallel_loop3A_308 = arith.constant 0 : i32
            %parallel_loop3A_309 = arith.constant 0 : i32
            %parallel_loop3A_310 = tpu.memref_slice %arg7[%scan3A_231, %parallel_loop3A_308, %parallel_loop3A_309] : memref<4x128x128xi32, #tpu.memory_space<vmem>> -> memref<1x128x128xi32, #tpu.memory_space<vmem>>
            %parallel_loop3A_311 = tpu.memref_squeeze %parallel_loop3A_310 : memref<1x128x128xi32, #tpu.memory_space<vmem>> -> memref<128x128xi32, #tpu.memory_space<vmem>>
            %parallel_loop3A_312 = arith.index_cast %parallel_loop3A_307 : i32 to index
            %parallel_loop3A_313 = arith.index_cast %parallel_loop3A_267 : i32 to index
            %parallel_loop3A_314 = tpu.vector_load %parallel_loop3A_311[%parallel_loop3A_312, %parallel_loop3A_313] {strides = array<i32>} : memref<128x128xi32, #tpu.memory_space<vmem>>, vector<16xi32>,
            %parallel_loop3A_315 = vector.bitcast %parallel_loop3A_314 : vector<16xi32> to vector<32xbf16>
            %parallel_loop3A_316 = arith.constant 16 : i32
            %parallel_loop3A_317 = arith.muli %add3A_264, %parallel_loop3A_316 : i32
            %parallel_loop3A_318 = arith.constant 4 : i32
            %parallel_loop3A_319 = arith.addi %parallel_loop3A_317, %parallel_loop3A_318 : i32
            %parallel_loop3A_320 = arith.constant 0 : i32
            %parallel_loop3A_321 = arith.constant 0 : i32
            %parallel_loop3A_322 = tpu.memref_slice %arg7[%scan3A_231, %parallel_loop3A_320, %parallel_loop3A_321] : memref<4x128x128xi32, #tpu.memory_space<vmem>> -> memref<1x128x128xi32, #tpu.memory_space<vmem>>
            %parallel_loop3A_323 = tpu.memref_squeeze %parallel_loop3A_322 : memref<1x128x128xi32, #tpu.memory_space<vmem>> -> memref<128x128xi32, #tpu.memory_space<vmem>>
            %parallel_loop3A_324 = arith.index_cast %parallel_loop3A_319 : i32 to index
            %parallel_loop3A_325 = arith.index_cast %parallel_loop3A_267 : i32 to index
            %parallel_loop3A_326 = tpu.vector_load %parallel_loop3A_323[%parallel_loop3A_324, %parallel_loop3A_325] {strides = array<i32>} : memref<128x128xi32, #tpu.memory_space<vmem>>, vector<16xi32>,
            %parallel_loop3A_327 = vector.bitcast %parallel_loop3A_326 : vector<16xi32> to vector<32xbf16>
            %parallel_loop3A_328 = arith.constant 16 : i32
            %parallel_loop3A_329 = arith.muli %add3A_264, %parallel_loop3A_328 : i32
            %parallel_loop3A_330 = arith.constant 5 : i32
            %parallel_loop3A_331 = arith.addi %parallel_loop3A_329, %parallel_loop3A_330 : i32
            %parallel_loop3A_332 = arith.constant 0 : i32
            %parallel_loop3A_333 = arith.constant 0 : i32
            %parallel_loop3A_334 = tpu.memref_slice %arg7[%scan3A_231, %parallel_loop3A_332, %parallel_loop3A_333] : memref<4x128x128xi32, #tpu.memory_space<vmem>> -> memref<1x128x128xi32, #tpu.memory_space<vmem>>
            %parallel_loop3A_335 = tpu.memref_squeeze %parallel_loop3A_334 : memref<1x128x128xi32, #tpu.memory_space<vmem>> -> memref<128x128xi32, #tpu.memory_space<vmem>>
            %parallel_loop3A_336 = arith.index_cast %parallel_loop3A_331 : i32 to index
            %parallel_loop3A_337 = arith.index_cast %parallel_loop3A_267 : i32 to index
            %parallel_loop3A_338 = tpu.vector_load %parallel_loop3A_335[%parallel_loop3A_336, %parallel_loop3A_337] {strides = array<i32>} : memref<128x128xi32, #tpu.memory_space<vmem>>, vector<16xi32>,
            %parallel_loop3A_339 = vector.bitcast %parallel_loop3A_338 : vector<16xi32> to vector<32xbf16>
            %parallel_loop3A_340 = arith.constant 16 : i32
            %parallel_loop3A_341 = arith.muli %add3A_264, %parallel_loop3A_340 : i32
            %parallel_loop3A_342 = arith.constant 6 : i32
            %parallel_loop3A_343 = arith.addi %parallel_loop3A_341, %parallel_loop3A_342 : i32
            %parallel_loop3A_344 = arith.constant 0 : i32
            %parallel_loop3A_345 = arith.constant 0 : i32
            %parallel_loop3A_346 = tpu.memref_slice %arg7[%scan3A_231, %parallel_loop3A_344, %parallel_loop3A_345] : memref<4x128x128xi32, #tpu.memory_space<vmem>> -> memref<1x128x128xi32, #tpu.memory_space<vmem>>
            %parallel_loop3A_347 = tpu.memref_squeeze %parallel_loop3A_346 : memref<1x128x128xi32, #tpu.memory_space<vmem>> -> memref<128x128xi32, #tpu.memory_space<vmem>>
            %parallel_loop3A_348 = arith.index_cast %parallel_loop3A_343 : i32 to index
            %parallel_loop3A_349 = arith.index_cast %parallel_loop3A_267 : i32 to index
            %parallel_loop3A_350 = tpu.vector_load %parallel_loop3A_347[%parallel_loop3A_348, %parallel_loop3A_349] {strides = array<i32>} : memref<128x128xi32, #tpu.memory_space<vmem>>, vector<16xi32>,
            %parallel_loop3A_351 = vector.bitcast %parallel_loop3A_350 : vector<16xi32> to vector<32xbf16>
            %parallel_loop3A_352 = arith.constant 16 : i32
            %parallel_loop3A_353 = arith.muli %add3A_264, %parallel_loop3A_352 : i32
            %parallel_loop3A_354 = arith.constant 7 : i32
            %parallel_loop3A_355 = arith.addi %parallel_loop3A_353, %parallel_loop3A_354 : i32
            %parallel_loop3A_356 = arith.constant 0 : i32
            %parallel_loop3A_357 = arith.constant 0 : i32
            %parallel_loop3A_358 = tpu.memref_slice %arg7[%scan3A_231, %parallel_loop3A_356, %parallel_loop3A_357] : memref<4x128x128xi32, #tpu.memory_space<vmem>> -> memref<1x128x128xi32, #tpu.memory_space<vmem>>
            %parallel_loop3A_359 = tpu.memref_squeeze %parallel_loop3A_358 : memref<1x128x128xi32, #tpu.memory_space<vmem>> -> memref<128x128xi32, #tpu.memory_space<vmem>>
            %parallel_loop3A_360 = arith.index_cast %parallel_loop3A_355 : i32 to index
            %parallel_loop3A_361 = arith.index_cast %parallel_loop3A_267 : i32 to index
            %parallel_loop3A_362 = tpu.vector_load %parallel_loop3A_359[%parallel_loop3A_360, %parallel_loop3A_361] {strides = array<i32>} : memref<128x128xi32, #tpu.memory_space<vmem>>, vector<16xi32>,
            %parallel_loop3A_363 = vector.bitcast %parallel_loop3A_362 : vector<16xi32> to vector<32xbf16>
            %parallel_loop3A_364 = arith.constant 16 : i32
            %parallel_loop3A_365 = arith.muli %add3A_264, %parallel_loop3A_364 : i32
            %parallel_loop3A_366 = arith.constant 8 : i32
            %parallel_loop3A_367 = arith.addi %parallel_loop3A_365, %parallel_loop3A_366 : i32
            %parallel_loop3A_368 = arith.constant 0 : i32
            %parallel_loop3A_369 = arith.constant 0 : i32
            %parallel_loop3A_370 = tpu.memref_slice %arg7[%scan3A_231, %parallel_loop3A_368, %parallel_loop3A_369] : memref<4x128x128xi32, #tpu.memory_space<vmem>> -> memref<1x128x128xi32, #tpu.memory_space<vmem>>
            %parallel_loop3A_371 = tpu.memref_squeeze %parallel_loop3A_370 : memref<1x128x128xi32, #tpu.memory_space<vmem>> -> memref<128x128xi32, #tpu.memory_space<vmem>>
            %parallel_loop3A_372 = arith.index_cast %parallel_loop3A_367 : i32 to index
            %parallel_loop3A_373 = arith.index_cast %parallel_loop3A_267 : i32 to index
            %parallel_loop3A_374 = tpu.vector_load %parallel_loop3A_371[%parallel_loop3A_372, %parallel_loop3A_373] {strides = array<i32>} : memref<128x128xi32, #tpu.memory_space<vmem>>, vector<16xi32>,
            %parallel_loop3A_375 = vector.bitcast %parallel_loop3A_374 : vector<16xi32> to vector<32xbf16>
            %parallel_loop3A_376 = arith.constant 16 : i32
            %parallel_loop3A_377 = arith.muli %add3A_264, %parallel_loop3A_376 : i32
            %parallel_loop3A_378 = arith.constant 9 : i32
            %parallel_loop3A_379 = arith.addi %parallel_loop3A_377, %parallel_loop3A_378 : i32
            %parallel_loop3A_380 = arith.constant 0 : i32
            %parallel_loop3A_381 = arith.constant 0 : i32
            %parallel_loop3A_382 = tpu.memref_slice %arg7[%scan3A_231, %parallel_loop3A_380, %parallel_loop3A_381] : memref<4x128x128xi32, #tpu.memory_space<vmem>> -> memref<1x128x128xi32, #tpu.memory_space<vmem>>
            %parallel_loop3A_383 = tpu.memref_squeeze %parallel_loop3A_382 : memref<1x128x128xi32, #tpu.memory_space<vmem>> -> memref<128x128xi32, #tpu.memory_space<vmem>>
            %parallel_loop3A_384 = arith.index_cast %parallel_loop3A_379 : i32 to index
            %parallel_loop3A_385 = arith.index_cast %parallel_loop3A_267 : i32 to index
            %parallel_loop3A_386 = tpu.vector_load %parallel_loop3A_383[%parallel_loop3A_384, %parallel_loop3A_385] {strides = array<i32>} : memref<128x128xi32, #tpu.memory_space<vmem>>, vector<16xi32>,
            %parallel_loop3A_387 = vector.bitcast %parallel_loop3A_386 : vector<16xi32> to vector<32xbf16>
            %parallel_loop3A_388 = arith.constant 16 : i32
            %parallel_loop3A_389 = arith.muli %add3A_264, %parallel_loop3A_388 : i32
            %parallel_loop3A_390 = arith.constant 10 : i32
            %parallel_loop3A_391 = arith.addi %parallel_loop3A_389, %parallel_loop3A_390 : i32
            %parallel_loop3A_392 = arith.constant 0 : i32
            %parallel_loop3A_393 = arith.constant 0 : i32
            %parallel_loop3A_394 = tpu.memref_slice %arg7[%scan3A_231, %parallel_loop3A_392, %parallel_loop3A_393] : memref<4x128x128xi32, #tpu.memory_space<vmem>> -> memref<1x128x128xi32, #tpu.memory_space<vmem>>
            %parallel_loop3A_395 = tpu.memref_squeeze %parallel_loop3A_394 : memref<1x128x128xi32, #tpu.memory_space<vmem>> -> memref<128x128xi32, #tpu.memory_space<vmem>>
            %parallel_loop3A_396 = arith.index_cast %parallel_loop3A_391 : i32 to index
            %parallel_loop3A_397 = arith.index_cast %parallel_loop3A_267 : i32 to index
            %parallel_loop3A_398 = tpu.vector_load %parallel_loop3A_395[%parallel_loop3A_396, %parallel_loop3A_397] {strides = array<i32>} : memref<128x128xi32, #tpu.memory_space<vmem>>, vector<16xi32>,
            %parallel_loop3A_399 = vector.bitcast %parallel_loop3A_398 : vector<16xi32> to vector<32xbf16>
            %parallel_loop3A_400 = arith.constant 16 : i32
            %parallel_loop3A_401 = arith.muli %add3A_264, %parallel_loop3A_400 : i32
            %parallel_loop3A_402 = arith.constant 11 : i32
            %parallel_loop3A_403 = arith.addi %parallel_loop3A_401, %parallel_loop3A_402 : i32
            %parallel_loop3A_404 = arith.constant 0 : i32
            %parallel_loop3A_405 = arith.constant 0 : i32
            %parallel_loop3A_406 = tpu.memref_slice %arg7[%scan3A_231, %parallel_loop3A_404, %parallel_loop3A_405] : memref<4x128x128xi32, #tpu.memory_space<vmem>> -> memref<1x128x128xi32, #tpu.memory_space<vmem>>
            %parallel_loop3A_407 = tpu.memref_squeeze %parallel_loop3A_406 : memref<1x128x128xi32, #tpu.memory_space<vmem>> -> memref<128x128xi32, #tpu.memory_space<vmem>>
            %parallel_loop3A_408 = arith.index_cast %parallel_loop3A_403 : i32 to index
            %parallel_loop3A_409 = arith.index_cast %parallel_loop3A_267 : i32 to index
            %parallel_loop3A_410 = tpu.vector_load %parallel_loop3A_407[%parallel_loop3A_408, %parallel_loop3A_409] {strides = array<i32>} : memref<128x128xi32, #tpu.memory_space<vmem>>, vector<16xi32>,
            %parallel_loop3A_411 = vector.bitcast %parallel_loop3A_410 : vector<16xi32> to vector<32xbf16>
            %parallel_loop3A_412 = arith.constant 16 : i32
            %parallel_loop3A_413 = arith.muli %add3A_264, %parallel_loop3A_412 : i32
            %parallel_loop3A_414 = arith.constant 12 : i32
            %parallel_loop3A_415 = arith.addi %parallel_loop3A_413, %parallel_loop3A_414 : i32
            %parallel_loop3A_416 = arith.constant 0 : i32
            %parallel_loop3A_417 = arith.constant 0 : i32
            %parallel_loop3A_418 = tpu.memref_slice %arg7[%scan3A_231, %parallel_loop3A_416, %parallel_loop3A_417] : memref<4x128x128xi32, #tpu.memory_space<vmem>> -> memref<1x128x128xi32, #tpu.memory_space<vmem>>
            %parallel_loop3A_419 = tpu.memref_squeeze %parallel_loop3A_418 : memref<1x128x128xi32, #tpu.memory_space<vmem>> -> memref<128x128xi32, #tpu.memory_space<vmem>>
            %parallel_loop3A_420 = arith.index_cast %parallel_loop3A_415 : i32 to index
            %parallel_loop3A_421 = arith.index_cast %parallel_loop3A_267 : i32 to index
            %parallel_loop3A_422 = tpu.vector_load %parallel_loop3A_419[%parallel_loop3A_420, %parallel_loop3A_421] {strides = array<i32>} : memref<128x128xi32, #tpu.memory_space<vmem>>, vector<16xi32>,
            %parallel_loop3A_423 = vector.bitcast %parallel_loop3A_422 : vector<16xi32> to vector<32xbf16>
            %parallel_loop3A_424 = arith.constant 16 : i32
            %parallel_loop3A_425 = arith.muli %add3A_264, %parallel_loop3A_424 : i32
            %parallel_loop3A_426 = arith.constant 13 : i32
            %parallel_loop3A_427 = arith.addi %parallel_loop3A_425, %parallel_loop3A_426 : i32
            %parallel_loop3A_428 = arith.constant 0 : i32
            %parallel_loop3A_429 = arith.constant 0 : i32
            %parallel_loop3A_430 = tpu.memref_slice %arg7[%scan3A_231, %parallel_loop3A_428, %parallel_loop3A_429] : memref<4x128x128xi32, #tpu.memory_space<vmem>> -> memref<1x128x128xi32, #tpu.memory_space<vmem>>
            %parallel_loop3A_431 = tpu.memref_squeeze %parallel_loop3A_430 : memref<1x128x128xi32, #tpu.memory_space<vmem>> -> memref<128x128xi32, #tpu.memory_space<vmem>>
            %parallel_loop3A_432 = arith.index_cast %parallel_loop3A_427 : i32 to index
            %parallel_loop3A_433 = arith.index_cast %parallel_loop3A_267 : i32 to index
            %parallel_loop3A_434 = tpu.vector_load %parallel_loop3A_431[%parallel_loop3A_432, %parallel_loop3A_433] {strides = array<i32>} : memref<128x128xi32, #tpu.memory_space<vmem>>, vector<16xi32>,
            %parallel_loop3A_435 = vector.bitcast %parallel_loop3A_434 : vector<16xi32> to vector<32xbf16>
            %parallel_loop3A_436 = arith.constant 16 : i32
            %parallel_loop3A_437 = arith.muli %add3A_264, %parallel_loop3A_436 : i32
            %parallel_loop3A_438 = arith.constant 14 : i32
            %parallel_loop3A_439 = arith.addi %parallel_loop3A_437, %parallel_loop3A_438 : i32
            %parallel_loop3A_440 = arith.constant 0 : i32
            %parallel_loop3A_441 = arith.constant 0 : i32
            %parallel_loop3A_442 = tpu.memref_slice %arg7[%scan3A_231, %parallel_loop3A_440, %parallel_loop3A_441] : memref<4x128x128xi32, #tpu.memory_space<vmem>> -> memref<1x128x128xi32, #tpu.memory_space<vmem>>
            %parallel_loop3A_443 = tpu.memref_squeeze %parallel_loop3A_442 : memref<1x128x128xi32, #tpu.memory_space<vmem>> -> memref<128x128xi32, #tpu.memory_space<vmem>>
            %parallel_loop3A_444 = arith.index_cast %parallel_loop3A_439 : i32 to index
            %parallel_loop3A_445 = arith.index_cast %parallel_loop3A_267 : i32 to index
            %parallel_loop3A_446 = tpu.vector_load %parallel_loop3A_443[%parallel_loop3A_444, %parallel_loop3A_445] {strides = array<i32>} : memref<128x128xi32, #tpu.memory_space<vmem>>, vector<16xi32>,
            %parallel_loop3A_447 = vector.bitcast %parallel_loop3A_446 : vector<16xi32> to vector<32xbf16>
            %parallel_loop3A_448 = arith.constant 16 : i32
            %parallel_loop3A_449 = arith.muli %add3A_264, %parallel_loop3A_448 : i32
            %parallel_loop3A_450 = arith.constant 15 : i32
            %parallel_loop3A_451 = arith.addi %parallel_loop3A_449, %parallel_loop3A_450 : i32
            %parallel_loop3A_452 = arith.constant 0 : i32
            %parallel_loop3A_453 = arith.constant 0 : i32
            %parallel_loop3A_454 = tpu.memref_slice %arg7[%scan3A_231, %parallel_loop3A_452, %parallel_loop3A_453] : memref<4x128x128xi32, #tpu.memory_space<vmem>> -> memref<1x128x128xi32, #tpu.memory_space<vmem>>
            %parallel_loop3A_455 = tpu.memref_squeeze %parallel_loop3A_454 : memref<1x128x128xi32, #tpu.memory_space<vmem>> -> memref<128x128xi32, #tpu.memory_space<vmem>>
            %parallel_loop3A_456 = arith.index_cast %parallel_loop3A_451 : i32 to index
            %parallel_loop3A_457 = arith.index_cast %parallel_loop3A_267 : i32 to index
            %parallel_loop3A_458 = tpu.vector_load %parallel_loop3A_455[%parallel_loop3A_456, %parallel_loop3A_457] {strides = array<i32>} : memref<128x128xi32, #tpu.memory_space<vmem>>, vector<16xi32>,
            %parallel_loop3A_459 = vector.bitcast %parallel_loop3A_458 : vector<16xi32> to vector<32xbf16>
            %parallel_loop3A_460 = arith.addf %parallel_loop3A_279, %parallel_loop3A_291 : vector<32xbf16>
            %parallel_loop3A_461 = arith.addf %parallel_loop3A_303, %parallel_loop3A_315 : vector<32xbf16>
            %parallel_loop3A_462 = arith.addf %parallel_loop3A_327, %parallel_loop3A_339 : vector<32xbf16>
            %parallel_loop3A_463 = arith.addf %parallel_loop3A_351, %parallel_loop3A_363 : vector<32xbf16>
            %parallel_loop3A_464 = arith.addf %parallel_loop3A_375, %parallel_loop3A_387 : vector<32xbf16>
            %parallel_loop3A_465 = arith.addf %parallel_loop3A_399, %parallel_loop3A_411 : vector<32xbf16>
            %parallel_loop3A_466 = arith.addf %parallel_loop3A_423, %parallel_loop3A_435 : vector<32xbf16>
            %parallel_loop3A_467 = arith.addf %parallel_loop3A_447, %parallel_loop3A_459 : vector<32xbf16>
            %parallel_loop3A_468 = arith.addf %parallel_loop3A_460, %parallel_loop3A_461 : vector<32xbf16>
            %parallel_loop3A_469 = arith.addf %parallel_loop3A_462, %parallel_loop3A_463 : vector<32xbf16>
            %parallel_loop3A_470 = arith.addf %parallel_loop3A_464, %parallel_loop3A_465 : vector<32xbf16>
            %parallel_loop3A_471 = arith.addf %parallel_loop3A_466, %parallel_loop3A_467 : vector<32xbf16>
            %parallel_loop3A_472 = arith.addf %parallel_loop3A_468, %parallel_loop3A_469 : vector<32xbf16>
            %parallel_loop3A_473 = arith.addf %parallel_loop3A_470, %parallel_loop3A_471 : vector<32xbf16>
            %parallel_loop3A_474 = arith.addf %parallel_loop3A_472, %parallel_loop3A_473 : vector<32xbf16>
            %parallel_loop3A_475 = tpu.unpack_subelements %parallel_loop3A_474, 0 {pack_format = #tpu.pack_format<interleaved>} : vector<32xbf16> -> vector<16xf32>
            %parallel_loop3A_476 = tpu.unpack_subelements %parallel_loop3A_474, 1 {pack_format = #tpu.pack_format<interleaved>} : vector<32xbf16> -> vector<16xf32>
            %parallel_loop3A_477 = arith.constant 2 : i32
            %parallel_loop3A_478 = arith.muli %parallel_loop3A_477, %parallel_loop3A_267 : i32
            %parallel_loop3A_479 = vector.broadcast %parallel_loop3A_478 : i32 to vector<16xi32>
            %parallel_loop3A_480 = arith.addi %mul3A_230, %parallel_loop3A_479 : vector<16xi32>
            %parallel_loop3A_481 = vector.broadcast %squeeze3A : f32 to vector<16xf32>
            %parallel_loop3A_482 = arith.mulf %parallel_loop3A_475, %parallel_loop3A_481 : vector<16xf32>
            %parallel_loop3A_483 = arith.constant 0 : i32
            %parallel_loop3A_484 = arith.constant 0 : i32
            %parallel_loop3A_485 = tpu.memref_slice %arg8[%scan3A_232, %parallel_loop3A_483, %parallel_loop3A_484] : memref<2x8x256xf32, #tpu.memory_space<vmem>> -> memref<1x8x256xf32, #tpu.memory_space<vmem>>
            %parallel_loop3A_486 = tpu.memref_squeeze %parallel_loop3A_485 : memref<1x8x256xf32, #tpu.memory_space<vmem>> -> memref<8x256xf32, #tpu.memory_space<vmem>>
            tpu.vector_store_idx %parallel_loop3A_486[%broadcast_in_dim3A, %parallel_loop3A_480], %parallel_loop3A_482 : memref<8x256xf32, #tpu.memory_space<vmem>>[vector<16xi32>, vector<16xi32>], vector<16xf32>,
            %parallel_loop3A_487 = arith.constant 1 : i32
            %parallel_loop3A_488 = vector.broadcast %parallel_loop3A_487 : i32 to vector<16xi32>
            %parallel_loop3A_489 = arith.addi %parallel_loop3A_480, %parallel_loop3A_488 : vector<16xi32>
            %parallel_loop3A_490 = vector.broadcast %squeeze3A : f32 to vector<16xf32>
            %parallel_loop3A_491 = arith.mulf %parallel_loop3A_476, %parallel_loop3A_490 : vector<16xf32>
            %parallel_loop3A_492 = arith.constant 0 : i32
            %parallel_loop3A_493 = arith.constant 0 : i32
            %parallel_loop3A_494 = tpu.memref_slice %arg8[%scan3A_232, %parallel_loop3A_492, %parallel_loop3A_493] : memref<2x8x256xf32, #tpu.memory_space<vmem>> -> memref<1x8x256xf32, #tpu.memory_space<vmem>>
            %parallel_loop3A_495 = tpu.memref_squeeze %parallel_loop3A_494 : memref<1x8x256xf32, #tpu.memory_space<vmem>> -> memref<8x256xf32, #tpu.memory_space<vmem>>
            tpu.vector_store_idx %parallel_loop3A_495[%broadcast_in_dim3A, %parallel_loop3A_489], %parallel_loop3A_491 : memref<8x256xf32, #tpu.memory_space<vmem>>[vector<16xi32>, vector<16xi32>], vector<16xf32>,
          } {sc.loop_unroll_factor = 2 : i64, sc.parallel_access}
        }
        %scan3A_237 = arith.constant 8 : i32
        %add3A_238 = arith.addi %select_n3A, %add3A_212 : i32
        %mul3A_239 = arith.constant 8 : i32
        %mul3A_240 = arith.muli %add3A_238, %mul3A_239 : i32
        %dma_start3A_241 = arith.constant 0 : i32
        %dma_start3A_242 = arith.constant 0 : i32
        %dma_start3A_243 = arith.constant 0 : i32
        %dma_start3A_244 = tpu.memref_slice %arg8[%dma_start3A_241, %dma_start3A_242, %dma_start3A_243] : memref<2x8x256xf32, #tpu.memory_space<vmem>> -> memref<1x8x256xf32, #tpu.memory_space<vmem>>
        %dma_start3A_245 = tpu.memref_squeeze %dma_start3A_244 : memref<1x8x256xf32, #tpu.memory_space<vmem>> -> memref<8x256xf32, #tpu.memory_space<vmem>>
        %dma_start3A_246 = arith.constant 0 : i32
        %dma_start3A_247 = tpu.memref_slice %arg5[%mul3A_240, %dma_start3A_246] : memref<10000x256xf32, #tpu.memory_space<hbm>> -> memref<8x256xf32, #tpu.memory_space<hbm>>
        %dma_start3A_248 = arith.constant 0 : i32
        %dma_start3A_249 = tpu.memref_slice %arg5[%mul3A_240, %dma_start3A_248] : memref<10000x256xf32, #tpu.memory_space<hbm>> -> memref<8x256xf32, #tpu.memory_space<hbm>>
        %dma_start3A_250 = arith.constant 0 : i32
        %dma_start3A_251 = arith.constant 0 : i32
        %dma_start3A_252 = tpu.memref_slice %arg8[%dma_start3A_241, %dma_start3A_250, %dma_start3A_251] : memref<2x8x256xf32, #tpu.memory_space<vmem>> -> memref<1x8x256xf32, #tpu.memory_space<vmem>>
        %dma_start3A_253 = tpu.memref_squeeze %dma_start3A_252 : memref<1x8x256xf32, #tpu.memory_space<vmem>> -> memref<8x256xf32, #tpu.memory_space<vmem>>
        tpu.enqueue_dma source(%dma_start3A_253 : memref<8x256xf32, #tpu.memory_space<vmem>>) target(%dma_start3A_249 : memref<8x256xf32, #tpu.memory_space<hbm>>) target_semaphore(%arg13 : memref<!tpu.dma_semaphore, #tpu.memory_space<semaphore_mem>>)
        %add3A_254 = arith.constant 4 : i32
        %add3A_255 = arith.addi %add3A_212, %add3A_254 : i32
        %lt3A_256 = arith.cmpi slt, %add3A_255, %sub3A_48 : i32
        %convert_element_type3A_257 = arith.extui %lt3A_256 : i1 to i32
        %cond3A_258 = arith.constant 0 : i32
        %cond3A_259 = arith.cmpi ne, %convert_element_type3A_257, %cond3A_258 : i32
        scf.if %cond3A_259 {
          %add3A_260 = arith.constant 4 : i32
          %add3A_261 = arith.addi %add3A_212, %add3A_260 : i32
          %mul3A_262 = arith.constant 128 : i32
          %mul3A_263 = arith.muli %add3A_261, %mul3A_262 : i32
          %dma_start3A_264 = arith.constant 2 : i32
          %dma_start3A_265 = arith.constant 0 : i32
          %dma_start3A_266 = arith.constant 0 : i32
          %dma_start3A_267 = tpu.memref_slice %arg7[%dma_start3A_264, %dma_start3A_265, %dma_start3A_266] : memref<4x128x128xi32, #tpu.memory_space<vmem>> -> memref<1x128x128xi32, #tpu.memory_space<vmem>>
          %dma_start3A_268 = tpu.memref_squeeze %dma_start3A_267 : memref<1x128x128xi32, #tpu.memory_space<vmem>> -> memref<128x128xi32, #tpu.memory_space<vmem>>
          %dma_start3A_269 = tpu.memref_slice %arg6[%mul3A_263] : memref<5120xi32, #tpu.memory_space<vmem>> -> memref<128xi32, #tpu.memory_space<vmem>>
          %dma_start3A_270 = arith.constant 0 : i32
          %dma_start3A_271 = arith.constant 0 : i32
          %dma_start3A_272 = tpu.memref_slice %arg2[%dma_start3A_270, %dma_start3A_271] : memref<10000x128xi32, #tpu.memory_space<hbm>> -> memref<10000x128xi32, #tpu.memory_space<hbm>>
          tpu.enqueue_indirect_dma source(%dma_start3A_272 : memref<10000x128xi32, #tpu.memory_space<hbm>>) target(%dma_start3A_268 : memref<128x128xi32, #tpu.memory_space<vmem>>) offsets(%dma_start3A_269 : memref<128xi32, #tpu.memory_space<vmem>>) semaphore(%arg11 : memref<!tpu.dma_semaphore, #tpu.memory_space<semaphore_mem>>)
        } else {
        }
      } else {
      }
      %add3A_205 = arith.constant 3 : i32
      %add3A_206 = arith.addi %mul3A_189, %add3A_205 : i32
      %lt3A_207 = arith.cmpi slt, %add3A_206, %sub3A_48 : i32
      %convert_element_type3A_208 = arith.extui %lt3A_207 : i1 to i32
      %cond3A_209 = arith.constant 0 : i32
      %cond3A_210 = arith.cmpi ne, %convert_element_type3A_208, %cond3A_209 : i32
      scf.if %cond3A_210 {
        %add3A_211 = arith.constant 3 : i32
        %add3A_212 = arith.addi %mul3A_189, %add3A_211 : i32
        %mul3A_213 = arith.constant 128 : i32
        %mul3A_214 = arith.muli %add3A_212, %mul3A_213 : i32
        %dma_wait3A_215 = arith.constant 3 : i32
        %dma_wait3A_216 = arith.constant 0 : i32
        %dma_wait3A_217 = arith.constant 0 : i32
        %dma_wait3A_218 = tpu.memref_slice %arg7[%dma_wait3A_215, %dma_wait3A_216, %dma_wait3A_217] : memref<4x128x128xi32, #tpu.memory_space<vmem>> -> memref<1x128x128xi32, #tpu.memory_space<vmem>>
        %dma_wait3A_219 = tpu.memref_squeeze %dma_wait3A_218 : memref<1x128x128xi32, #tpu.memory_space<vmem>> -> memref<128x128xi32, #tpu.memory_space<vmem>>
        %dma_wait3A_220 = tpu.memref_slice %arg6[%mul3A_214] : memref<5120xi32, #tpu.memory_space<vmem>> -> memref<128xi32, #tpu.memory_space<vmem>>
        %dma_wait3A_221 = arith.constant 0 : i32
        %dma_wait3A_222 = arith.constant 0 : i32
        %dma_wait3A_223 = tpu.memref_slice %arg2[%dma_wait3A_221, %dma_wait3A_222] : memref<10000x128xi32, #tpu.memory_space<hbm>> -> memref<10000x128xi32, #tpu.memory_space<hbm>>
        tpu.wait_indirect_dma semaphore(%arg12 : memref<!tpu.dma_semaphore, #tpu.memory_space<semaphore_mem>>) src(%dma_wait3A_223 : memref<10000x128xi32, #tpu.memory_space<hbm>>) dst(%dma_wait3A_219 : memref<128x128xi32, #tpu.memory_space<vmem>>)
        %ge3A = arith.constant 2 : i32
        %ge3A_224 = arith.cmpi sge, %add3A_212, %ge3A : i32
        %convert_element_type3A_225 = arith.extui %ge3A_224 : i1 to i32
        %cond3A_226 = arith.constant 0 : i32
        %cond3A_227 = arith.cmpi ne, %convert_element_type3A_225, %cond3A_226 : i32
        scf.if %cond3A_227 {
          %sub3A_260 = arith.constant 2 : i32
          %sub3A_261 = arith.subi %add3A_212, %sub3A_260 : i32
          %add3A_262 = arith.addi %select_n3A, %sub3A_261 : i32
          %mul3A_263 = arith.constant 8 : i32
          %mul3A_264 = arith.muli %add3A_262, %mul3A_263 : i32
          %dma_wait3A_265 = arith.constant 1 : i32
          %dma_wait3A_266 = arith.constant 0 : i32
          %dma_wait3A_267 = arith.constant 0 : i32
          %dma_wait3A_268 = tpu.memref_slice %arg8[%dma_wait3A_265, %dma_wait3A_266, %dma_wait3A_267] : memref<2x8x256xf32, #tpu.memory_space<vmem>> -> memref<1x8x256xf32, #tpu.memory_space<vmem>>
          %dma_wait3A_269 = tpu.memref_squeeze %dma_wait3A_268 : memref<1x8x256xf32, #tpu.memory_space<vmem>> -> memref<8x256xf32, #tpu.memory_space<vmem>>
          %dma_wait3A_270 = arith.constant 0 : i32
          %dma_wait3A_271 = tpu.memref_slice %arg5[%mul3A_264, %dma_wait3A_270] : memref<10000x256xf32, #tpu.memory_space<hbm>> -> memref<8x256xf32, #tpu.memory_space<hbm>>
          %dma_wait3A_272 = arith.constant 0 : i32
          %dma_wait3A_273 = tpu.memref_slice %arg5[%mul3A_264, %dma_wait3A_272] : memref<10000x256xf32, #tpu.memory_space<hbm>> -> memref<8x256xf32, #tpu.memory_space<hbm>>
          %dma_wait3A_274 = arith.constant 0 : i32
          %dma_wait3A_275 = arith.constant 0 : i32
          %dma_wait3A_276 = tpu.memref_slice %arg8[%dma_wait3A_265, %dma_wait3A_274, %dma_wait3A_275] : memref<2x8x256xf32, #tpu.memory_space<vmem>> -> memref<1x8x256xf32, #tpu.memory_space<vmem>>
          %dma_wait3A_277 = tpu.memref_squeeze %dma_wait3A_276 : memref<1x8x256xf32, #tpu.memory_space<vmem>> -> memref<8x256xf32, #tpu.memory_space<vmem>>
          tpu.wait_dma2 semaphore(%arg14 : memref<!tpu.dma_semaphore, #tpu.memory_space<semaphore_mem>>) src(%dma_wait3A_277 : memref<8x256xf32, #tpu.memory_space<vmem>>) dst(%dma_wait3A_273 : memref<8x256xf32, #tpu.memory_space<hbm>>)
        } else {
        }
        %iota3A = tpu.iota {dimensions = array<i32: 0>} : vector<16xi32>
        %mul3A_228 = arith.constant 2 : i32
        %mul3A_229 = vector.broadcast %mul3A_228 : i32 to vector<16xi32>
        %mul3A_230 = arith.muli %mul3A_229, %iota3A : vector<16xi32>
        %scan3A_231 = arith.constant 3 : i32
        %scan3A_232 = arith.constant 1 : i32
        %scan3A_233 = arith.constant 0 : i32
        %scan3A_234 = arith.constant 8 : i32
        %scan3A_235 = arith.addi %scan3A_233, %scan3A_234 : i32
        %scan3A_236 = arith.constant 1 : i32
        scf.for %scan3A_260 = %scan3A_233 to %scan3A_235 step %scan3A_236  : i32 {
          %mul3A_261 = arith.constant 1 : i32
          %mul3A_262 = arith.muli %scan3A_260, %mul3A_261 : i32
          %add3A_263 = arith.constant 0 : i32
          %add3A_264 = arith.addi %add3A_263, %mul3A_262 : i32
          %broadcast_in_dim3A = vector.broadcast %add3A_264 : i32 to vector<16xi32>
          %parallel_loop3A = arith.constant 0 : i32
          %parallel_loop3A_265 = arith.constant 128 : i32
          %parallel_loop3A_266 = arith.constant 16 : i32
          scf.for %parallel_loop3A_267 = %parallel_loop3A to %parallel_loop3A_265 step %parallel_loop3A_266  : i32 {
            %parallel_loop3A_268 = arith.constant 16 : i32
            %parallel_loop3A_269 = arith.muli %add3A_264, %parallel_loop3A_268 : i32
            %parallel_loop3A_270 = arith.constant 0 : i32
            %parallel_loop3A_271 = arith.addi %parallel_loop3A_269, %parallel_loop3A_270 : i32
            %parallel_loop3A_272 = arith.constant 0 : i32
            %parallel_loop3A_273 = arith.constant 0 : i32
            %parallel_loop3A_274 = tpu.memref_slice %arg7[%scan3A_231, %parallel_loop3A_272, %parallel_loop3A_273] : memref<4x128x128xi32, #tpu.memory_space<vmem>> -> memref<1x128x128xi32, #tpu.memory_space<vmem>>
            %parallel_loop3A_275 = tpu.memref_squeeze %parallel_loop3A_274 : memref<1x128x128xi32, #tpu.memory_space<vmem>> -> memref<128x128xi32, #tpu.memory_space<vmem>>
            %parallel_loop3A_276 = arith.index_cast %parallel_loop3A_271 : i32 to index
            %parallel_loop3A_277 = arith.index_cast %parallel_loop3A_267 : i32 to index
            %parallel_loop3A_278 = tpu.vector_load %parallel_loop3A_275[%parallel_loop3A_276, %parallel_loop3A_277] {strides = array<i32>} : memref<128x128xi32, #tpu.memory_space<vmem>>, vector<16xi32>,
            %parallel_loop3A_279 = vector.bitcast %parallel_loop3A_278 : vector<16xi32> to vector<32xbf16>
            %parallel_loop3A_280 = arith.constant 16 : i32
            %parallel_loop3A_281 = arith.muli %add3A_264, %parallel_loop3A_280 : i32
            %parallel_loop3A_282 = arith.constant 1 : i32
            %parallel_loop3A_283 = arith.addi %parallel_loop3A_281, %parallel_loop3A_282 : i32
            %parallel_loop3A_284 = arith.constant 0 : i32
            %parallel_loop3A_285 = arith.constant 0 : i32
            %parallel_loop3A_286 = tpu.memref_slice %arg7[%scan3A_231, %parallel_loop3A_284, %parallel_loop3A_285] : memref<4x128x128xi32, #tpu.memory_space<vmem>> -> memref<1x128x128xi32, #tpu.memory_space<vmem>>
            %parallel_loop3A_287 = tpu.memref_squeeze %parallel_loop3A_286 : memref<1x128x128xi32, #tpu.memory_space<vmem>> -> memref<128x128xi32, #tpu.memory_space<vmem>>
            %parallel_loop3A_288 = arith.index_cast %parallel_loop3A_283 : i32 to index
            %parallel_loop3A_289 = arith.index_cast %parallel_loop3A_267 : i32 to index
            %parallel_loop3A_290 = tpu.vector_load %parallel_loop3A_287[%parallel_loop3A_288, %parallel_loop3A_289] {strides = array<i32>} : memref<128x128xi32, #tpu.memory_space<vmem>>, vector<16xi32>,
            %parallel_loop3A_291 = vector.bitcast %parallel_loop3A_290 : vector<16xi32> to vector<32xbf16>
            %parallel_loop3A_292 = arith.constant 16 : i32
            %parallel_loop3A_293 = arith.muli %add3A_264, %parallel_loop3A_292 : i32
            %parallel_loop3A_294 = arith.constant 2 : i32
            %parallel_loop3A_295 = arith.addi %parallel_loop3A_293, %parallel_loop3A_294 : i32
            %parallel_loop3A_296 = arith.constant 0 : i32
            %parallel_loop3A_297 = arith.constant 0 : i32
            %parallel_loop3A_298 = tpu.memref_slice %arg7[%scan3A_231, %parallel_loop3A_296, %parallel_loop3A_297] : memref<4x128x128xi32, #tpu.memory_space<vmem>> -> memref<1x128x128xi32, #tpu.memory_space<vmem>>
            %parallel_loop3A_299 = tpu.memref_squeeze %parallel_loop3A_298 : memref<1x128x128xi32, #tpu.memory_space<vmem>> -> memref<128x128xi32, #tpu.memory_space<vmem>>
            %parallel_loop3A_300 = arith.index_cast %parallel_loop3A_295 : i32 to index
            %parallel_loop3A_301 = arith.index_cast %parallel_loop3A_267 : i32 to index
            %parallel_loop3A_302 = tpu.vector_load %parallel_loop3A_299[%parallel_loop3A_300, %parallel_loop3A_301] {strides = array<i32>} : memref<128x128xi32, #tpu.memory_space<vmem>>, vector<16xi32>,
            %parallel_loop3A_303 = vector.bitcast %parallel_loop3A_302 : vector<16xi32> to vector<32xbf16>
            %parallel_loop3A_304 = arith.constant 16 : i32
            %parallel_loop3A_305 = arith.muli %add3A_264, %parallel_loop3A_304 : i32
            %parallel_loop3A_306 = arith.constant 3 : i32
            %parallel_loop3A_307 = arith.addi %parallel_loop3A_305, %parallel_loop3A_306 : i32
            %parallel_loop3A_308 = arith.constant 0 : i32
            %parallel_loop3A_309 = arith.constant 0 : i32
            %parallel_loop3A_310 = tpu.memref_slice %arg7[%scan3A_231, %parallel_loop3A_308, %parallel_loop3A_309] : memref<4x128x128xi32, #tpu.memory_space<vmem>> -> memref<1x128x128xi32, #tpu.memory_space<vmem>>
            %parallel_loop3A_311 = tpu.memref_squeeze %parallel_loop3A_310 : memref<1x128x128xi32, #tpu.memory_space<vmem>> -> memref<128x128xi32, #tpu.memory_space<vmem>>
            %parallel_loop3A_312 = arith.index_cast %parallel_loop3A_307 : i32 to index
            %parallel_loop3A_313 = arith.index_cast %parallel_loop3A_267 : i32 to index
            %parallel_loop3A_314 = tpu.vector_load %parallel_loop3A_311[%parallel_loop3A_312, %parallel_loop3A_313] {strides = array<i32>} : memref<128x128xi32, #tpu.memory_space<vmem>>, vector<16xi32>,
            %parallel_loop3A_315 = vector.bitcast %parallel_loop3A_314 : vector<16xi32> to vector<32xbf16>
            %parallel_loop3A_316 = arith.constant 16 : i32
            %parallel_loop3A_317 = arith.muli %add3A_264, %parallel_loop3A_316 : i32
            %parallel_loop3A_318 = arith.constant 4 : i32
            %parallel_loop3A_319 = arith.addi %parallel_loop3A_317, %parallel_loop3A_318 : i32
            %parallel_loop3A_320 = arith.constant 0 : i32
            %parallel_loop3A_321 = arith.constant 0 : i32
            %parallel_loop3A_322 = tpu.memref_slice %arg7[%scan3A_231, %parallel_loop3A_320, %parallel_loop3A_321] : memref<4x128x128xi32, #tpu.memory_space<vmem>> -> memref<1x128x128xi32, #tpu.memory_space<vmem>>
            %parallel_loop3A_323 = tpu.memref_squeeze %parallel_loop3A_322 : memref<1x128x128xi32, #tpu.memory_space<vmem>> -> memref<128x128xi32, #tpu.memory_space<vmem>>
            %parallel_loop3A_324 = arith.index_cast %parallel_loop3A_319 : i32 to index
            %parallel_loop3A_325 = arith.index_cast %parallel_loop3A_267 : i32 to index
            %parallel_loop3A_326 = tpu.vector_load %parallel_loop3A_323[%parallel_loop3A_324, %parallel_loop3A_325] {strides = array<i32>} : memref<128x128xi32, #tpu.memory_space<vmem>>, vector<16xi32>,
            %parallel_loop3A_327 = vector.bitcast %parallel_loop3A_326 : vector<16xi32> to vector<32xbf16>
            %parallel_loop3A_328 = arith.constant 16 : i32
            %parallel_loop3A_329 = arith.muli %add3A_264, %parallel_loop3A_328 : i32
            %parallel_loop3A_330 = arith.constant 5 : i32
            %parallel_loop3A_331 = arith.addi %parallel_loop3A_329, %parallel_loop3A_330 : i32
            %parallel_loop3A_332 = arith.constant 0 : i32
            %parallel_loop3A_333 = arith.constant 0 : i32
            %parallel_loop3A_334 = tpu.memref_slice %arg7[%scan3A_231, %parallel_loop3A_332, %parallel_loop3A_333] : memref<4x128x128xi32, #tpu.memory_space<vmem>> -> memref<1x128x128xi32, #tpu.memory_space<vmem>>
            %parallel_loop3A_335 = tpu.memref_squeeze %parallel_loop3A_334 : memref<1x128x128xi32, #tpu.memory_space<vmem>> -> memref<128x128xi32, #tpu.memory_space<vmem>>
            %parallel_loop3A_336 = arith.index_cast %parallel_loop3A_331 : i32 to index
            %parallel_loop3A_337 = arith.index_cast %parallel_loop3A_267 : i32 to index
            %parallel_loop3A_338 = tpu.vector_load %parallel_loop3A_335[%parallel_loop3A_336, %parallel_loop3A_337] {strides = array<i32>} : memref<128x128xi32, #tpu.memory_space<vmem>>, vector<16xi32>,
            %parallel_loop3A_339 = vector.bitcast %parallel_loop3A_338 : vector<16xi32> to vector<32xbf16>
            %parallel_loop3A_340 = arith.constant 16 : i32
            %parallel_loop3A_341 = arith.muli %add3A_264, %parallel_loop3A_340 : i32
            %parallel_loop3A_342 = arith.constant 6 : i32
            %parallel_loop3A_343 = arith.addi %parallel_loop3A_341, %parallel_loop3A_342 : i32
            %parallel_loop3A_344 = arith.constant 0 : i32
            %parallel_loop3A_345 = arith.constant 0 : i32
            %parallel_loop3A_346 = tpu.memref_slice %arg7[%scan3A_231, %parallel_loop3A_344, %parallel_loop3A_345] : memref<4x128x128xi32, #tpu.memory_space<vmem>> -> memref<1x128x128xi32, #tpu.memory_space<vmem>>
            %parallel_loop3A_347 = tpu.memref_squeeze %parallel_loop3A_346 : memref<1x128x128xi32, #tpu.memory_space<vmem>> -> memref<128x128xi32, #tpu.memory_space<vmem>>
            %parallel_loop3A_348 = arith.index_cast %parallel_loop3A_343 : i32 to index
            %parallel_loop3A_349 = arith.index_cast %parallel_loop3A_267 : i32 to index
            %parallel_loop3A_350 = tpu.vector_load %parallel_loop3A_347[%parallel_loop3A_348, %parallel_loop3A_349] {strides = array<i32>} : memref<128x128xi32, #tpu.memory_space<vmem>>, vector<16xi32>,
            %parallel_loop3A_351 = vector.bitcast %parallel_loop3A_350 : vector<16xi32> to vector<32xbf16>
            %parallel_loop3A_352 = arith.constant 16 : i32
            %parallel_loop3A_353 = arith.muli %add3A_264, %parallel_loop3A_352 : i32
            %parallel_loop3A_354 = arith.constant 7 : i32
            %parallel_loop3A_355 = arith.addi %parallel_loop3A_353, %parallel_loop3A_354 : i32
            %parallel_loop3A_356 = arith.constant 0 : i32
            %parallel_loop3A_357 = arith.constant 0 : i32
            %parallel_loop3A_358 = tpu.memref_slice %arg7[%scan3A_231, %parallel_loop3A_356, %parallel_loop3A_357] : memref<4x128x128xi32, #tpu.memory_space<vmem>> -> memref<1x128x128xi32, #tpu.memory_space<vmem>>
            %parallel_loop3A_359 = tpu.memref_squeeze %parallel_loop3A_358 : memref<1x128x128xi32, #tpu.memory_space<vmem>> -> memref<128x128xi32, #tpu.memory_space<vmem>>
            %parallel_loop3A_360 = arith.index_cast %parallel_loop3A_355 : i32 to index
            %parallel_loop3A_361 = arith.index_cast %parallel_loop3A_267 : i32 to index
            %parallel_loop3A_362 = tpu.vector_load %parallel_loop3A_359[%parallel_loop3A_360, %parallel_loop3A_361] {strides = array<i32>} : memref<128x128xi32, #tpu.memory_space<vmem>>, vector<16xi32>,
            %parallel_loop3A_363 = vector.bitcast %parallel_loop3A_362 : vector<16xi32> to vector<32xbf16>
            %parallel_loop3A_364 = arith.constant 16 : i32
            %parallel_loop3A_365 = arith.muli %add3A_264, %parallel_loop3A_364 : i32
            %parallel_loop3A_366 = arith.constant 8 : i32
            %parallel_loop3A_367 = arith.addi %parallel_loop3A_365, %parallel_loop3A_366 : i32
            %parallel_loop3A_368 = arith.constant 0 : i32
            %parallel_loop3A_369 = arith.constant 0 : i32
            %parallel_loop3A_370 = tpu.memref_slice %arg7[%scan3A_231, %parallel_loop3A_368, %parallel_loop3A_369] : memref<4x128x128xi32, #tpu.memory_space<vmem>> -> memref<1x128x128xi32, #tpu.memory_space<vmem>>
            %parallel_loop3A_371 = tpu.memref_squeeze %parallel_loop3A_370 : memref<1x128x128xi32, #tpu.memory_space<vmem>> -> memref<128x128xi32, #tpu.memory_space<vmem>>
            %parallel_loop3A_372 = arith.index_cast %parallel_loop3A_367 : i32 to index
            %parallel_loop3A_373 = arith.index_cast %parallel_loop3A_267 : i32 to index
            %parallel_loop3A_374 = tpu.vector_load %parallel_loop3A_371[%parallel_loop3A_372, %parallel_loop3A_373] {strides = array<i32>} : memref<128x128xi32, #tpu.memory_space<vmem>>, vector<16xi32>,
            %parallel_loop3A_375 = vector.bitcast %parallel_loop3A_374 : vector<16xi32> to vector<32xbf16>
            %parallel_loop3A_376 = arith.constant 16 : i32
            %parallel_loop3A_377 = arith.muli %add3A_264, %parallel_loop3A_376 : i32
            %parallel_loop3A_378 = arith.constant 9 : i32
            %parallel_loop3A_379 = arith.addi %parallel_loop3A_377, %parallel_loop3A_378 : i32
            %parallel_loop3A_380 = arith.constant 0 : i32
            %parallel_loop3A_381 = arith.constant 0 : i32
            %parallel_loop3A_382 = tpu.memref_slice %arg7[%scan3A_231, %parallel_loop3A_380, %parallel_loop3A_381] : memref<4x128x128xi32, #tpu.memory_space<vmem>> -> memref<1x128x128xi32, #tpu.memory_space<vmem>>
            %parallel_loop3A_383 = tpu.memref_squeeze %parallel_loop3A_382 : memref<1x128x128xi32, #tpu.memory_space<vmem>> -> memref<128x128xi32, #tpu.memory_space<vmem>>
            %parallel_loop3A_384 = arith.index_cast %parallel_loop3A_379 : i32 to index
            %parallel_loop3A_385 = arith.index_cast %parallel_loop3A_267 : i32 to index
            %parallel_loop3A_386 = tpu.vector_load %parallel_loop3A_383[%parallel_loop3A_384, %parallel_loop3A_385] {strides = array<i32>} : memref<128x128xi32, #tpu.memory_space<vmem>>, vector<16xi32>,
            %parallel_loop3A_387 = vector.bitcast %parallel_loop3A_386 : vector<16xi32> to vector<32xbf16>
            %parallel_loop3A_388 = arith.constant 16 : i32
            %parallel_loop3A_389 = arith.muli %add3A_264, %parallel_loop3A_388 : i32
            %parallel_loop3A_390 = arith.constant 10 : i32
            %parallel_loop3A_391 = arith.addi %parallel_loop3A_389, %parallel_loop3A_390 : i32
            %parallel_loop3A_392 = arith.constant 0 : i32
            %parallel_loop3A_393 = arith.constant 0 : i32
            %parallel_loop3A_394 = tpu.memref_slice %arg7[%scan3A_231, %parallel_loop3A_392, %parallel_loop3A_393] : memref<4x128x128xi32, #tpu.memory_space<vmem>> -> memref<1x128x128xi32, #tpu.memory_space<vmem>>
            %parallel_loop3A_395 = tpu.memref_squeeze %parallel_loop3A_394 : memref<1x128x128xi32, #tpu.memory_space<vmem>> -> memref<128x128xi32, #tpu.memory_space<vmem>>
            %parallel_loop3A_396 = arith.index_cast %parallel_loop3A_391 : i32 to index
            %parallel_loop3A_397 = arith.index_cast %parallel_loop3A_267 : i32 to index
            %parallel_loop3A_398 = tpu.vector_load %parallel_loop3A_395[%parallel_loop3A_396, %parallel_loop3A_397] {strides = array<i32>} : memref<128x128xi32, #tpu.memory_space<vmem>>, vector<16xi32>,
            %parallel_loop3A_399 = vector.bitcast %parallel_loop3A_398 : vector<16xi32> to vector<32xbf16>
            %parallel_loop3A_400 = arith.constant 16 : i32
            %parallel_loop3A_401 = arith.muli %add3A_264, %parallel_loop3A_400 : i32
            %parallel_loop3A_402 = arith.constant 11 : i32
            %parallel_loop3A_403 = arith.addi %parallel_loop3A_401, %parallel_loop3A_402 : i32
            %parallel_loop3A_404 = arith.constant 0 : i32
            %parallel_loop3A_405 = arith.constant 0 : i32
            %parallel_loop3A_406 = tpu.memref_slice %arg7[%scan3A_231, %parallel_loop3A_404, %parallel_loop3A_405] : memref<4x128x128xi32, #tpu.memory_space<vmem>> -> memref<1x128x128xi32, #tpu.memory_space<vmem>>
            %parallel_loop3A_407 = tpu.memref_squeeze %parallel_loop3A_406 : memref<1x128x128xi32, #tpu.memory_space<vmem>> -> memref<128x128xi32, #tpu.memory_space<vmem>>
            %parallel_loop3A_408 = arith.index_cast %parallel_loop3A_403 : i32 to index
            %parallel_loop3A_409 = arith.index_cast %parallel_loop3A_267 : i32 to index
            %parallel_loop3A_410 = tpu.vector_load %parallel_loop3A_407[%parallel_loop3A_408, %parallel_loop3A_409] {strides = array<i32>} : memref<128x128xi32, #tpu.memory_space<vmem>>, vector<16xi32>,
            %parallel_loop3A_411 = vector.bitcast %parallel_loop3A_410 : vector<16xi32> to vector<32xbf16>
            %parallel_loop3A_412 = arith.constant 16 : i32
            %parallel_loop3A_413 = arith.muli %add3A_264, %parallel_loop3A_412 : i32
            %parallel_loop3A_414 = arith.constant 12 : i32
            %parallel_loop3A_415 = arith.addi %parallel_loop3A_413, %parallel_loop3A_414 : i32
            %parallel_loop3A_416 = arith.constant 0 : i32
            %parallel_loop3A_417 = arith.constant 0 : i32
            %parallel_loop3A_418 = tpu.memref_slice %arg7[%scan3A_231, %parallel_loop3A_416, %parallel_loop3A_417] : memref<4x128x128xi32, #tpu.memory_space<vmem>> -> memref<1x128x128xi32, #tpu.memory_space<vmem>>
            %parallel_loop3A_419 = tpu.memref_squeeze %parallel_loop3A_418 : memref<1x128x128xi32, #tpu.memory_space<vmem>> -> memref<128x128xi32, #tpu.memory_space<vmem>>
            %parallel_loop3A_420 = arith.index_cast %parallel_loop3A_415 : i32 to index
            %parallel_loop3A_421 = arith.index_cast %parallel_loop3A_267 : i32 to index
            %parallel_loop3A_422 = tpu.vector_load %parallel_loop3A_419[%parallel_loop3A_420, %parallel_loop3A_421] {strides = array<i32>} : memref<128x128xi32, #tpu.memory_space<vmem>>, vector<16xi32>,
            %parallel_loop3A_423 = vector.bitcast %parallel_loop3A_422 : vector<16xi32> to vector<32xbf16>
            %parallel_loop3A_424 = arith.constant 16 : i32
            %parallel_loop3A_425 = arith.muli %add3A_264, %parallel_loop3A_424 : i32
            %parallel_loop3A_426 = arith.constant 13 : i32
            %parallel_loop3A_427 = arith.addi %parallel_loop3A_425, %parallel_loop3A_426 : i32
            %parallel_loop3A_428 = arith.constant 0 : i32
            %parallel_loop3A_429 = arith.constant 0 : i32
            %parallel_loop3A_430 = tpu.memref_slice %arg7[%scan3A_231, %parallel_loop3A_428, %parallel_loop3A_429] : memref<4x128x128xi32, #tpu.memory_space<vmem>> -> memref<1x128x128xi32, #tpu.memory_space<vmem>>
            %parallel_loop3A_431 = tpu.memref_squeeze %parallel_loop3A_430 : memref<1x128x128xi32, #tpu.memory_space<vmem>> -> memref<128x128xi32, #tpu.memory_space<vmem>>
            %parallel_loop3A_432 = arith.index_cast %parallel_loop3A_427 : i32 to index
            %parallel_loop3A_433 = arith.index_cast %parallel_loop3A_267 : i32 to index
            %parallel_loop3A_434 = tpu.vector_load %parallel_loop3A_431[%parallel_loop3A_432, %parallel_loop3A_433] {strides = array<i32>} : memref<128x128xi32, #tpu.memory_space<vmem>>, vector<16xi32>,
            %parallel_loop3A_435 = vector.bitcast %parallel_loop3A_434 : vector<16xi32> to vector<32xbf16>
            %parallel_loop3A_436 = arith.constant 16 : i32
            %parallel_loop3A_437 = arith.muli %add3A_264, %parallel_loop3A_436 : i32
            %parallel_loop3A_438 = arith.constant 14 : i32
            %parallel_loop3A_439 = arith.addi %parallel_loop3A_437, %parallel_loop3A_438 : i32
            %parallel_loop3A_440 = arith.constant 0 : i32
            %parallel_loop3A_441 = arith.constant 0 : i32
            %parallel_loop3A_442 = tpu.memref_slice %arg7[%scan3A_231, %parallel_loop3A_440, %parallel_loop3A_441] : memref<4x128x128xi32, #tpu.memory_space<vmem>> -> memref<1x128x128xi32, #tpu.memory_space<vmem>>
            %parallel_loop3A_443 = tpu.memref_squeeze %parallel_loop3A_442 : memref<1x128x128xi32, #tpu.memory_space<vmem>> -> memref<128x128xi32, #tpu.memory_space<vmem>>
            %parallel_loop3A_444 = arith.index_cast %parallel_loop3A_439 : i32 to index
            %parallel_loop3A_445 = arith.index_cast %parallel_loop3A_267 : i32 to index
            %parallel_loop3A_446 = tpu.vector_load %parallel_loop3A_443[%parallel_loop3A_444, %parallel_loop3A_445] {strides = array<i32>} : memref<128x128xi32, #tpu.memory_space<vmem>>, vector<16xi32>,
            %parallel_loop3A_447 = vector.bitcast %parallel_loop3A_446 : vector<16xi32> to vector<32xbf16>
            %parallel_loop3A_448 = arith.constant 16 : i32
            %parallel_loop3A_449 = arith.muli %add3A_264, %parallel_loop3A_448 : i32
            %parallel_loop3A_450 = arith.constant 15 : i32
            %parallel_loop3A_451 = arith.addi %parallel_loop3A_449, %parallel_loop3A_450 : i32
            %parallel_loop3A_452 = arith.constant 0 : i32
            %parallel_loop3A_453 = arith.constant 0 : i32
            %parallel_loop3A_454 = tpu.memref_slice %arg7[%scan3A_231, %parallel_loop3A_452, %parallel_loop3A_453] : memref<4x128x128xi32, #tpu.memory_space<vmem>> -> memref<1x128x128xi32, #tpu.memory_space<vmem>>
            %parallel_loop3A_455 = tpu.memref_squeeze %parallel_loop3A_454 : memref<1x128x128xi32, #tpu.memory_space<vmem>> -> memref<128x128xi32, #tpu.memory_space<vmem>>
            %parallel_loop3A_456 = arith.index_cast %parallel_loop3A_451 : i32 to index
            %parallel_loop3A_457 = arith.index_cast %parallel_loop3A_267 : i32 to index
            %parallel_loop3A_458 = tpu.vector_load %parallel_loop3A_455[%parallel_loop3A_456, %parallel_loop3A_457] {strides = array<i32>} : memref<128x128xi32, #tpu.memory_space<vmem>>, vector<16xi32>,
            %parallel_loop3A_459 = vector.bitcast %parallel_loop3A_458 : vector<16xi32> to vector<32xbf16>
            %parallel_loop3A_460 = arith.addf %parallel_loop3A_279, %parallel_loop3A_291 : vector<32xbf16>
            %parallel_loop3A_461 = arith.addf %parallel_loop3A_303, %parallel_loop3A_315 : vector<32xbf16>
            %parallel_loop3A_462 = arith.addf %parallel_loop3A_327, %parallel_loop3A_339 : vector<32xbf16>
            %parallel_loop3A_463 = arith.addf %parallel_loop3A_351, %parallel_loop3A_363 : vector<32xbf16>
            %parallel_loop3A_464 = arith.addf %parallel_loop3A_375, %parallel_loop3A_387 : vector<32xbf16>
            %parallel_loop3A_465 = arith.addf %parallel_loop3A_399, %parallel_loop3A_411 : vector<32xbf16>
            %parallel_loop3A_466 = arith.addf %parallel_loop3A_423, %parallel_loop3A_435 : vector<32xbf16>
            %parallel_loop3A_467 = arith.addf %parallel_loop3A_447, %parallel_loop3A_459 : vector<32xbf16>
            %parallel_loop3A_468 = arith.addf %parallel_loop3A_460, %parallel_loop3A_461 : vector<32xbf16>
            %parallel_loop3A_469 = arith.addf %parallel_loop3A_462, %parallel_loop3A_463 : vector<32xbf16>
            %parallel_loop3A_470 = arith.addf %parallel_loop3A_464, %parallel_loop3A_465 : vector<32xbf16>
            %parallel_loop3A_471 = arith.addf %parallel_loop3A_466, %parallel_loop3A_467 : vector<32xbf16>
            %parallel_loop3A_472 = arith.addf %parallel_loop3A_468, %parallel_loop3A_469 : vector<32xbf16>
            %parallel_loop3A_473 = arith.addf %parallel_loop3A_470, %parallel_loop3A_471 : vector<32xbf16>
            %parallel_loop3A_474 = arith.addf %parallel_loop3A_472, %parallel_loop3A_473 : vector<32xbf16>
            %parallel_loop3A_475 = tpu.unpack_subelements %parallel_loop3A_474, 0 {pack_format = #tpu.pack_format<interleaved>} : vector<32xbf16> -> vector<16xf32>
            %parallel_loop3A_476 = tpu.unpack_subelements %parallel_loop3A_474, 1 {pack_format = #tpu.pack_format<interleaved>} : vector<32xbf16> -> vector<16xf32>
            %parallel_loop3A_477 = arith.constant 2 : i32
            %parallel_loop3A_478 = arith.muli %parallel_loop3A_477, %parallel_loop3A_267 : i32
            %parallel_loop3A_479 = vector.broadcast %parallel_loop3A_478 : i32 to vector<16xi32>
            %parallel_loop3A_480 = arith.addi %mul3A_230, %parallel_loop3A_479 : vector<16xi32>
            %parallel_loop3A_481 = vector.broadcast %squeeze3A : f32 to vector<16xf32>
            %parallel_loop3A_482 = arith.mulf %parallel_loop3A_475, %parallel_loop3A_481 : vector<16xf32>
            %parallel_loop3A_483 = arith.constant 0 : i32
            %parallel_loop3A_484 = arith.constant 0 : i32
            %parallel_loop3A_485 = tpu.memref_slice %arg8[%scan3A_232, %parallel_loop3A_483, %parallel_loop3A_484] : memref<2x8x256xf32, #tpu.memory_space<vmem>> -> memref<1x8x256xf32, #tpu.memory_space<vmem>>
            %parallel_loop3A_486 = tpu.memref_squeeze %parallel_loop3A_485 : memref<1x8x256xf32, #tpu.memory_space<vmem>> -> memref<8x256xf32, #tpu.memory_space<vmem>>
            tpu.vector_store_idx %parallel_loop3A_486[%broadcast_in_dim3A, %parallel_loop3A_480], %parallel_loop3A_482 : memref<8x256xf32, #tpu.memory_space<vmem>>[vector<16xi32>, vector<16xi32>], vector<16xf32>,
            %parallel_loop3A_487 = arith.constant 1 : i32
            %parallel_loop3A_488 = vector.broadcast %parallel_loop3A_487 : i32 to vector<16xi32>
            %parallel_loop3A_489 = arith.addi %parallel_loop3A_480, %parallel_loop3A_488 : vector<16xi32>
            %parallel_loop3A_490 = vector.broadcast %squeeze3A : f32 to vector<16xf32>
            %parallel_loop3A_491 = arith.mulf %parallel_loop3A_476, %parallel_loop3A_490 : vector<16xf32>
            %parallel_loop3A_492 = arith.constant 0 : i32
            %parallel_loop3A_493 = arith.constant 0 : i32
            %parallel_loop3A_494 = tpu.memref_slice %arg8[%scan3A_232, %parallel_loop3A_492, %parallel_loop3A_493] : memref<2x8x256xf32, #tpu.memory_space<vmem>> -> memref<1x8x256xf32, #tpu.memory_space<vmem>>
            %parallel_loop3A_495 = tpu.memref_squeeze %parallel_loop3A_494 : memref<1x8x256xf32, #tpu.memory_space<vmem>> -> memref<8x256xf32, #tpu.memory_space<vmem>>
            tpu.vector_store_idx %parallel_loop3A_495[%broadcast_in_dim3A, %parallel_loop3A_489], %parallel_loop3A_491 : memref<8x256xf32, #tpu.memory_space<vmem>>[vector<16xi32>, vector<16xi32>], vector<16xf32>,
          } {sc.loop_unroll_factor = 2 : i64, sc.parallel_access}
        }
        %scan3A_237 = arith.constant 8 : i32
        %add3A_238 = arith.addi %select_n3A, %add3A_212 : i32
        %mul3A_239 = arith.constant 8 : i32
        %mul3A_240 = arith.muli %add3A_238, %mul3A_239 : i32
        %dma_start3A_241 = arith.constant 1 : i32
        %dma_start3A_242 = arith.constant 0 : i32
        %dma_start3A_243 = arith.constant 0 : i32
        %dma_start3A_244 = tpu.memref_slice %arg8[%dma_start3A_241, %dma_start3A_242, %dma_start3A_243] : memref<2x8x256xf32, #tpu.memory_space<vmem>> -> memref<1x8x256xf32, #tpu.memory_space<vmem>>
        %dma_start3A_245 = tpu.memref_squeeze %dma_start3A_244 : memref<1x8x256xf32, #tpu.memory_space<vmem>> -> memref<8x256xf32, #tpu.memory_space<vmem>>
        %dma_start3A_246 = arith.constant 0 : i32
        %dma_start3A_247 = tpu.memref_slice %arg5[%mul3A_240, %dma_start3A_246] : memref<10000x256xf32, #tpu.memory_space<hbm>> -> memref<8x256xf32, #tpu.memory_space<hbm>>
        %dma_start3A_248 = arith.constant 0 : i32
        %dma_start3A_249 = tpu.memref_slice %arg5[%mul3A_240, %dma_start3A_248] : memref<10000x256xf32, #tpu.memory_space<hbm>> -> memref<8x256xf32, #tpu.memory_space<hbm>>
        %dma_start3A_250 = arith.constant 0 : i32
        %dma_start3A_251 = arith.constant 0 : i32
        %dma_start3A_252 = tpu.memref_slice %arg8[%dma_start3A_241, %dma_start3A_250, %dma_start3A_251] : memref<2x8x256xf32, #tpu.memory_space<vmem>> -> memref<1x8x256xf32, #tpu.memory_space<vmem>>
        %dma_start3A_253 = tpu.memref_squeeze %dma_start3A_252 : memref<1x8x256xf32, #tpu.memory_space<vmem>> -> memref<8x256xf32, #tpu.memory_space<vmem>>
        tpu.enqueue_dma source(%dma_start3A_253 : memref<8x256xf32, #tpu.memory_space<vmem>>) target(%dma_start3A_249 : memref<8x256xf32, #tpu.memory_space<hbm>>) target_semaphore(%arg14 : memref<!tpu.dma_semaphore, #tpu.memory_space<semaphore_mem>>)
        %add3A_254 = arith.constant 4 : i32
        %add3A_255 = arith.addi %add3A_212, %add3A_254 : i32
        %lt3A_256 = arith.cmpi slt, %add3A_255, %sub3A_48 : i32
        %convert_element_type3A_257 = arith.extui %lt3A_256 : i1 to i32
        %cond3A_258 = arith.constant 0 : i32
        %cond3A_259 = arith.cmpi ne, %convert_element_type3A_257, %cond3A_258 : i32
        scf.if %cond3A_259 {
          %add3A_260 = arith.constant 4 : i32
          %add3A_261 = arith.addi %add3A_212, %add3A_260 : i32
          %mul3A_262 = arith.constant 128 : i32
          %mul3A_263 = arith.muli %add3A_261, %mul3A_262 : i32
          %dma_start3A_264 = arith.constant 3 : i32
          %dma_start3A_265 = arith.constant 0 : i32
          %dma_start3A_266 = arith.constant 0 : i32
          %dma_start3A_267 = tpu.memref_slice %arg7[%dma_start3A_264, %dma_start3A_265, %dma_start3A_266] : memref<4x128x128xi32, #tpu.memory_space<vmem>> -> memref<1x128x128xi32, #tpu.memory_space<vmem>>
          %dma_start3A_268 = tpu.memref_squeeze %dma_start3A_267 : memref<1x128x128xi32, #tpu.memory_space<vmem>> -> memref<128x128xi32, #tpu.memory_space<vmem>>
          %dma_start3A_269 = tpu.memref_slice %arg6[%mul3A_263] : memref<5120xi32, #tpu.memory_space<vmem>> -> memref<128xi32, #tpu.memory_space<vmem>>
          %dma_start3A_270 = arith.constant 0 : i32
          %dma_start3A_271 = arith.constant 0 : i32
          %dma_start3A_272 = tpu.memref_slice %arg2[%dma_start3A_270, %dma_start3A_271] : memref<10000x128xi32, #tpu.memory_space<hbm>> -> memref<10000x128xi32, #tpu.memory_space<hbm>>
          tpu.enqueue_indirect_dma source(%dma_start3A_272 : memref<10000x128xi32, #tpu.memory_space<hbm>>) target(%dma_start3A_268 : memref<128x128xi32, #tpu.memory_space<vmem>>) offsets(%dma_start3A_269 : memref<128xi32, #tpu.memory_space<vmem>>) semaphore(%arg12 : memref<!tpu.dma_semaphore, #tpu.memory_space<semaphore_mem>>)
        } else {
        }
      } else {
      }
    }
    %scan3A_93 = arith.constant 10 : i32
    %sub3A_94 = arith.constant 1 : i32
    %sub3A_95 = arith.subi %sub3A_48, %sub3A_94 : i32
    %jit3A_96 = arith.constant 2 : i32
    %div3A_97 = arith.divsi %sub3A_95, %jit3A_96 : i32
    %sign3A_98 = arith.constant 0 : i32
    %sign3A_99 = arith.cmpi sgt, %sub3A_95, %sign3A_98 : i32
    %sign3A_100 = arith.extui %sign3A_99 : i1 to i32
    %sign3A_101 = arith.constant 0 : i32
    %sign3A_102 = arith.cmpi slt, %sub3A_95, %sign3A_101 : i32
    %sign3A_103 = arith.extui %sign3A_102 : i1 to i32
    %sign3A_104 = arith.subi %sign3A_100, %sign3A_103 : i32
    %sign3A_105 = arith.constant 0 : i32
    %sign3A_106 = arith.cmpi sgt, %jit3A_96, %sign3A_105 : i32
    %sign3A_107 = arith.extui %sign3A_106 : i1 to i32
    %sign3A_108 = arith.constant 0 : i32
    %sign3A_109 = arith.cmpi slt, %jit3A_96, %sign3A_108 : i32
    %sign3A_110 = arith.extui %sign3A_109 : i1 to i32
    %sign3A_111 = arith.subi %sign3A_107, %sign3A_110 : i32
    %ne3A_112 = arith.cmpi ne, %sign3A_104, %sign3A_111 : i32
    %rem3A_113 = arith.remsi %sub3A_95, %jit3A_96 : i32
    %ne3A_114 = arith.constant 0 : i32
    %ne3A_115 = arith.cmpi ne, %rem3A_113, %ne3A_114 : i32
    %and3A_116 = arith.andi %ne3A_112, %ne3A_115 : i1
    %sub3A_117 = arith.constant 1 : i32
    %sub3A_118 = arith.subi %div3A_97, %sub3A_117 : i32
    %select_n3A_119 = arith.select %and3A_116, %sub3A_118, %div3A_97 : i32
    %mul3A_120 = arith.constant 2 : i32
    %mul3A_121 = arith.muli %select_n3A_119, %mul3A_120 : i32
    %sub3A_122 = arith.constant 2 : i32
    %sub3A_123 = arith.subi %sub3A_48, %sub3A_122 : i32
    %jit3A_124 = arith.constant 2 : i32
    %div3A_125 = arith.divsi %sub3A_123, %jit3A_124 : i32
    %sign3A_126 = arith.constant 0 : i32
    %sign3A_127 = arith.cmpi sgt, %sub3A_123, %sign3A_126 : i32
    %sign3A_128 = arith.extui %sign3A_127 : i1 to i32
    %sign3A_129 = arith.constant 0 : i32
    %sign3A_130 = arith.cmpi slt, %sub3A_123, %sign3A_129 : i32
    %sign3A_131 = arith.extui %sign3A_130 : i1 to i32
    %sign3A_132 = arith.subi %sign3A_128, %sign3A_131 : i32
    %sign3A_133 = arith.constant 0 : i32
    %sign3A_134 = arith.cmpi sgt, %jit3A_124, %sign3A_133 : i32
    %sign3A_135 = arith.extui %sign3A_134 : i1 to i32
    %sign3A_136 = arith.constant 0 : i32
    %sign3A_137 = arith.cmpi slt, %jit3A_124, %sign3A_136 : i32
    %sign3A_138 = arith.extui %sign3A_137 : i1 to i32
    %sign3A_139 = arith.subi %sign3A_135, %sign3A_138 : i32
    %ne3A_140 = arith.cmpi ne, %sign3A_132, %sign3A_139 : i32
    %rem3A_141 = arith.remsi %sub3A_123, %jit3A_124 : i32
    %ne3A_142 = arith.constant 0 : i32
    %ne3A_143 = arith.cmpi ne, %rem3A_141, %ne3A_142 : i32
    %and3A_144 = arith.andi %ne3A_140, %ne3A_143 : i1
    %sub3A_145 = arith.constant 1 : i32
    %sub3A_146 = arith.subi %div3A_125, %sub3A_145 : i32
    %select_n3A_147 = arith.select %and3A_144, %sub3A_146, %div3A_125 : i32
    %mul3A_148 = arith.constant 2 : i32
    %mul3A_149 = arith.muli %select_n3A_147, %mul3A_148 : i32
    %add3A_150 = arith.constant 1 : i32
    %add3A_151 = arith.addi %mul3A_149, %add3A_150 : i32
    %add3A_152 = arith.addi %select_n3A, %mul3A_121 : i32
    %mul3A_153 = arith.constant 8 : i32
    %mul3A_154 = arith.muli %add3A_152, %mul3A_153 : i32
    %dma_wait3A = arith.constant 0 : i32
    %dma_wait3A_155 = arith.constant 0 : i32
    %dma_wait3A_156 = arith.constant 0 : i32
    %dma_wait3A_157 = tpu.memref_slice %arg8[%dma_wait3A, %dma_wait3A_155, %dma_wait3A_156] : memref<2x8x256xf32, #tpu.memory_space<vmem>> -> memref<1x8x256xf32, #tpu.memory_space<vmem>>
    %dma_wait3A_158 = tpu.memref_squeeze %dma_wait3A_157 : memref<1x8x256xf32, #tpu.memory_space<vmem>> -> memref<8x256xf32, #tpu.memory_space<vmem>>
    %dma_wait3A_159 = arith.constant 0 : i32
    %dma_wait3A_160 = tpu.memref_slice %arg5[%mul3A_154, %dma_wait3A_159] : memref<10000x256xf32, #tpu.memory_space<hbm>> -> memref<8x256xf32, #tpu.memory_space<hbm>>
    %dma_wait3A_161 = arith.constant 0 : i32
    %dma_wait3A_162 = tpu.memref_slice %arg5[%mul3A_154, %dma_wait3A_161] : memref<10000x256xf32, #tpu.memory_space<hbm>> -> memref<8x256xf32, #tpu.memory_space<hbm>>
    %dma_wait3A_163 = arith.constant 0 : i32
    %dma_wait3A_164 = arith.constant 0 : i32
    %dma_wait3A_165 = tpu.memref_slice %arg8[%dma_wait3A, %dma_wait3A_163, %dma_wait3A_164] : memref<2x8x256xf32, #tpu.memory_space<vmem>> -> memref<1x8x256xf32, #tpu.memory_space<vmem>>
    %dma_wait3A_166 = tpu.memref_squeeze %dma_wait3A_165 : memref<1x8x256xf32, #tpu.memory_space<vmem>> -> memref<8x256xf32, #tpu.memory_space<vmem>>
    tpu.wait_dma2 semaphore(%arg13 : memref<!tpu.dma_semaphore, #tpu.memory_space<semaphore_mem>>) src(%dma_wait3A_166 : memref<8x256xf32, #tpu.memory_space<vmem>>) dst(%dma_wait3A_162 : memref<8x256xf32, #tpu.memory_space<hbm>>)
    %add3A_167 = arith.addi %select_n3A, %add3A_151 : i32
    %mul3A_168 = arith.constant 8 : i32
    %mul3A_169 = arith.muli %add3A_167, %mul3A_168 : i32
    %dma_wait3A_170 = arith.constant 1 : i32
    %dma_wait3A_171 = arith.constant 0 : i32
    %dma_wait3A_172 = arith.constant 0 : i32
    %dma_wait3A_173 = tpu.memref_slice %arg8[%dma_wait3A_170, %dma_wait3A_171, %dma_wait3A_172] : memref<2x8x256xf32, #tpu.memory_space<vmem>> -> memref<1x8x256xf32, #tpu.memory_space<vmem>>
    %dma_wait3A_174 = tpu.memref_squeeze %dma_wait3A_173 : memref<1x8x256xf32, #tpu.memory_space<vmem>> -> memref<8x256xf32, #tpu.memory_space<vmem>>
    %dma_wait3A_175 = arith.constant 0 : i32
    %dma_wait3A_176 = tpu.memref_slice %arg5[%mul3A_169, %dma_wait3A_175] : memref<10000x256xf32, #tpu.memory_space<hbm>> -> memref<8x256xf32, #tpu.memory_space<hbm>>
    %dma_wait3A_177 = arith.constant 0 : i32
    %dma_wait3A_178 = tpu.memref_slice %arg5[%mul3A_169, %dma_wait3A_177] : memref<10000x256xf32, #tpu.memory_space<hbm>> -> memref<8x256xf32, #tpu.memory_space<hbm>>
    %dma_wait3A_179 = arith.constant 0 : i32
    %dma_wait3A_180 = arith.constant 0 : i32
    %dma_wait3A_181 = tpu.memref_slice %arg8[%dma_wait3A_170, %dma_wait3A_179, %dma_wait3A_180] : memref<2x8x256xf32, #tpu.memory_space<vmem>> -> memref<1x8x256xf32, #tpu.memory_space<vmem>>
    %dma_wait3A_182 = tpu.memref_squeeze %dma_wait3A_181 : memref<1x8x256xf32, #tpu.memory_space<vmem>> -> memref<8x256xf32, #tpu.memory_space<vmem>>
    tpu.wait_dma2 semaphore(%arg14 : memref<!tpu.dma_semaphore, #tpu.memory_space<semaphore_mem>>) src(%dma_wait3A_182 : memref<8x256xf32, #tpu.memory_space<vmem>>) dst(%dma_wait3A_178 : memref<8x256xf32, #tpu.memory_space<hbm>>)
    return
  }
}

</mosaic_0001>

<sc_bundles>
// kernel: kernel.3.cloned.1.call-start
scs
__scs_entry_jumppad:
0x0: {  	(pc) =	sbr.rel $0x88, $3  }
0x1: {  	(tag) =	ssettag $0x0;
	lr =	simm.s32 $0x1  }
0x2: {  	[smem:$0x3F9F] =	sst lr;
	_ =	strace $0xD0000000  }
0x3: {  	_ = 	snop  }
0x4: {  	_ = 	snop  }
0x5: {  	_ = 	snop  }
0x6: {  	_ = 	snop  }
0x7: {  	_ = 	snop  }
__scs_overlays_trampoline_lowered:
0x8: {  	[smem:$0x3FAE] =	sst s0  }
0x9: {  	[smem:$0x3FAF] =	sst s1  }
0xa: {  	[smem:$0x3FB0] =	sst s2  }
0xb: {  	[smem:$0x3FB1] =	sst s3  }
0xc: {  	[smem:$0x3FB2] =	sst s4  }
0xd: {  	[smem:$0x3FB3] =	sst s5  }
0xe: {  	[smem:$0x3FB4] =	sst s6  }
0xf: {  	[smem:$0x3FB5] =	sst s7  }
0x10: {  	[smem:$0x3FB6] =	sst s8  }
0x11: {  	[smem:$0x3FB7] =	sst s9;
	s0 =	simm.s32 @!p0 $0x0  }
0x12: {  	s1 =	sld [smem:$0x3F9D];
	s0 =	simm.s32 @p0 $0x1  }
0x13: {  	[smem:$0x3FB8] =	sst s0;
	s0 =	simm.s32 @!p1 $0x0  }
0x14: {  	s2 =	sld [smem:$0x3F9C];
	s0 =	simm.s32 @p1 $0x1  }
0x15: {  	[smem:$0x3FB9] =	sst s0;
	s0 =	simm.s32 @!p2 $0x0  }
0x16: {  	s3 =	sld [smem:$0x3FDB];
	s0 =	simm.s32 @p2 $0x1  }
0x17: {  	s4 =	simm.s32 $0x1BF5;
	[smem:$0x3FBB] =	sst s0  }
0x18: {  	s0 =	sld [smem:$0x3F9E];
	_ =	swait.ge [sflag:s4], $0x0  }
0x19: {  	s7 =	sld [smem:$0x3F9F]  }
0x1a: {  	s8 =	sadd.s32 $0xFFFFE003, lr  }
0x1b: {  	s9 =	sadd.s32 $0xFFFFFEF7, lr;
	s5 =	simm.s32 $0xFFFFFFFF;
	p2 =	slt.u32 s8, $0xFFFFF086  }
0x1c: {  	p1 =	slt.u32 s9, $0xF7A;
	s5 =	simm.s32 @!p2 $0x0  }
0x1d: {  	s5 =	simm.s32 @p1 $0x1;
	p0 =	seq.s32 s7, s2  }
0x1e: {  	s7 =	smul.u32 @!p0 $0xF7A, s2;
	p2 =	seq.s32 @!p0 s5, $0x0  }
0x1f: {  	s9 =	smul.u32 $0xF7A, s1;
	s8 =	simm.s32 @!p0 $0x1BF5;
	p2 =	por !p2, p0  }
0x20: {  	[sflag:s8] =	ssyncset.s32 @!p0 $0xFFFFF086;
	s6 =	sadd.s32 @!p0 s3, s7;
	s7 =	simm.s32 @!p0 $0x108  }
0x21: {  	s3 =	sadd.s32 s3, s9;
	s6 =	sadd.s32 @!p0 $0x88, s6;
	s7 =	simm.s32 @p2 $0x1082  }
0x22: {  	[simem:s7], [sflag:s8] =	dma.local @!p0 [hbm:s6], $0xF7A  }
0x23: {  	s9 =	sor.u32 $0xD0000000, s2;
	s6 =	simm.s32 $0x108;
	_ =	swait.ge @!p0 [sflag:s8], $0x0  }
0x24: {  	s3 =	sadd.s32 $0x88, s3;
	s6 =	simm.s32 @!p1 $0x1082;
	[sflag:s4] =	ssyncset.s32 $0xFFFFF086  }
0x25: {  	[simem:s6], [sflag:s4] =	dma.local [hbm:s3], $0xF7A  }
0x26: {  	[smem:$0x3F9F] =	sst s1;
	(tag) =	ssettag s2;
	_ =	strace s9  }
0x27: {  	s1 =	sld [smem:$0x3FAF]  }
0x28: {  	s2 =	sld [smem:$0x3FB0]  }
0x29: {  	s4 =	sld [smem:$0x3FB2]  }
0x2a: {  	p0 =	seq.s32 s5, $0x0;
	s5 =	sld [smem:$0x3FB3]  }
0x2b: {  	s6 =	sld [smem:$0x3FB4]  }
0x2c: {  	s7 =	sld [smem:$0x3FB5]  }
0x2d: {  	s3 =	simm.s32 $0x108;
	s8 =	sld [smem:$0x3FB6]  }
0x2e: {  	s3 =	simm.s32 @!p0 $0x1082;
	s9 =	sld [smem:$0x3FB7]  }
0x2f: {  	lr =	sadd.s32 s0, s3;
	s0 =	sld [smem:$0x3FAE]  }
0x30: {  	s3 =	sld [smem:$0x3FB1]  }
0x31: {  	[smem:$0x3FBA] =	sst s10  }
0x32: {  	s10 =	sld [smem:$0x3FB8];
	_ =	sdelay $0x3  }
0x33: {  	p0 =	seq.s32 s10, $0x1;
	s10 =	sld [smem:$0x3FBA];
	_ =	sdelay $0x3  }
0x34: {  	[smem:$0x3FBA] =	sst s10  }
0x35: {  	s10 =	sld [smem:$0x3FB9];
	_ =	sdelay $0x3  }
0x36: {  	p1 =	seq.s32 s10, $0x1;
	s10 =	sld [smem:$0x3FBA];
	_ =	sdelay $0x3  }
0x37: {  	[smem:$0x3FBA] =	sst s10  }
0x38: {  	s10 =	sld [smem:$0x3FBB]  }
0x39: {  	_ = 	snop;
	(pc) =	sbr.ind lr, $3  }
0x3a: {  	_ = 	snop  }
0x3b: {  	_ = 	snop  }
0x3c: {  	p2 =	seq.s32 s10, $0x1;
	s10 =	sld [smem:$0x3FBA]  }
0x3d: {  	_ =	shalt  }
0x3e: {  	_ =	shalt  }
0x3f: {  	_ =	shalt  }
0x40: {  	_ =	shalt  }
0x41: {  	_ =	shalt  }
0x42: {  	_ =	shalt  }
0x43: {  	_ =	shalt  }
0x44: {  	_ =	shalt  }
0x45: {  	_ =	shalt  }
0x46: {  	_ =	shalt  }
0x47: {  	_ =	shalt  }
0x48: {  	_ =	shalt  }
0x49: {  	_ =	shalt  }
0x4a: {  	_ =	shalt  }
0x4b: {  	_ =	shalt  }
0x4c: {  	_ =	shalt  }
0x4d: {  	_ =	shalt  }
0x4e: {  	_ =	shalt  }
0x4f: {  	_ =	shalt  }
0x50: {  	_ =	shalt  }
0x51: {  	_ =	shalt  }
0x52: {  	_ =	shalt  }
0x53: {  	_ =	shalt  }
0x54: {  	_ =	shalt  }
0x55: {  	_ =	shalt  }
0x56: {  	_ =	shalt  }
0x57: {  	_ =	shalt  }
0x58: {  	_ =	shalt  }
0x59: {  	_ =	shalt  }
0x5a: {  	_ =	shalt  }
0x5b: {  	_ =	shalt  }
0x5c: {  	_ =	shalt  }
0x5d: {  	_ =	shalt  }
0x5e: {  	_ =	shalt  }
0x5f: {  	_ =	shalt  }
0x60: {  	_ =	shalt  }
0x61: {  	_ =	shalt  }
0x62: {  	_ =	shalt  }
0x63: {  	_ =	shalt  }
0x64: {  	_ =	shalt  }
0x65: {  	_ =	shalt  }
0x66: {  	_ =	shalt  }
0x67: {  	_ =	shalt  }
0x68: {  	_ =	shalt  }
0x69: {  	_ =	shalt  }
0x6a: {  	_ =	shalt  }
0x6b: {  	_ =	shalt  }
0x6c: {  	_ =	shalt  }
0x6d: {  	_ =	shalt  }
0x6e: {  	_ =	shalt  }
0x6f: {  	_ =	shalt  }
0x70: {  	_ =	shalt  }
0x71: {  	_ =	shalt  }
0x72: {  	_ =	shalt  }
0x73: {  	_ =	shalt  }
0x74: {  	_ =	shalt  }
0x75: {  	_ =	shalt  }
0x76: {  	_ =	shalt  }
0x77: {  	_ =	shalt  }
0x78: {  	_ =	shalt  }
0x79: {  	_ =	shalt  }
0x7a: {  	_ =	shalt  }
0x7b: {  	_ =	shalt  }
0x7c: {  	_ =	shalt  }
0x7d: {  	_ =	shalt  }
0x7e: {  	_ =	shalt  }
0x7f: {  	_ =	shalt  }
0x80: {  	_ =	shalt  }
0x81: {  	_ =	shalt  }
0x82: {  	_ =	shalt  }
0x83: {  	_ =	shalt  }
0x84: {  	_ =	shalt  }
0x85: {  	_ =	shalt  }
0x86: {  	_ =	shalt  }
0x87: {  	_ =	shalt  }
.Lfunc_end0:
.L_simem_size_0:
called_computation_lowered:
.L_overlay_start_0:
0x88: {  	s2 =	sld [smem:$0x3FD9]  }
0x89: {  	s3 =	sld [smem:$0x3FFE];
	_ =	sdelay $0x1  }
0x8a: {  	s1 =	srdreg.scid  }
0x8b: {  	s0 =	sand.u32 $0x1, s1  }
0x8c: {  	s17 =	sshll.u32 s0, $0xA;
	s2 =	sadd.s32 s3, s2  }
0x8d: {  	s2 =	sadd.s32 s2, s17  }
0x8e: {  	[smem:$0x3FC6] =	sst s2  }
0x8f: {  	_ = 	snop  }
0x90: {  	s2 =	sld [smem:$0x3FD0];
	(tm) =	ssettm $0x1  }
0x91: {  	s18 =	sld [smem:$0x3FFB];
	_ =	sdelay $0x3  }
0x92: {  	_ =	strace s18  }
0x93: {  	s3 =	sld [smem:$0x3FFC];
	_ =	sdelay $0x3  }
0x94: {  	_ =	strace s3  }
0x95: {  	s3 =	sld [smem:$0x3FFD];
	_ =	sdelay $0x3  }
0x96: {  	_ =	strace s3  }
0x97: {  	_ =	strace $0x8FFFFFFF  }
0x98: {  	s19 =	sld [smem:$0x3FDB];
	_ =	sdelay $0x1  }
0x99: {  	s4 =	simm.s32 $_scs_section_size  }
0x9a: {  	s5 =	simm.s32 $_size__tile_overlayer_lowered;
	s6 =	simm.s32 $_tile_overlayer_lowered  }
0x9b: {  	s22 =	simm.s32 $0x1BFF;
	s21 =	sshll.u32 s6, $0x1;
	s3 =	sadd.s32 s4, s19  }
0x9c: {  	s7 =	simm.s32 $0x0;
	s20 =	sshll.u32 s5, $0x1;
	s5 =	sadd.s32 s21, s3  }
0x9d: {  	[timem:s7], [sflag:s22] =	dma.local [hbm:s5], s20  }
0x9e: {  	_ =	swait.ge [sflag:s22], s20  }
0x9f: {  	s4 =	ssub.s32 $0x0, s20;
	[sflag:s22] =	ssyncset.done $0x0  }
0xa0: {  	[sflag:s22] =	ssyncadd.s32 s4;
	_ =	sdelay $0x1  }
0xa1: {  	s23 =	simm.s32 $0x1B8B  }
0xa2: {  	_ =	swait.ge [sflag:s23], $0x1  }
0xa3: {  	[sflag:s23] =	ssyncset.done $0x0  }
0xa4: {  	s25 =	simm.s32 $0x1B8E;
	s24 =	sld [smem:$0x3FFE];
	[sflag:s23] =	ssyncadd.s32 $0xFFFFFFFF  }
0xa5: {  	s26 =	simm.s32 $execute0_lowered;
	[smem:$0x3FD2] =	sst s25  }
0xa6: {  	s5 =	sshll.u32 s26, $0x1;
	_ =	strace $0x80000046;
	[dreg:$0x1] =	wrdreg $0xFFFFFFFF  }
0xa7: {  	s28 =	simm.s32 $_size_execute0_lowered;
	s3 =	sadd.s32 s3, s5;
	[dreg:$0x0] =	wrdreg $0x0  }
0xa8: {  	s5 =	sshll.u32 s28, $0x1;
	[dreg:$0x2] =	wrdreg s3  }
0xa9: {  	[dreg:$0x3] =	wrdreg s5  }
0xaa: {  	[dreg:$0x4] =	wrdreg $0xC0  }
0xab: {  	_ =	task [dreg:s7], $0x5FFFF  }
0xac: {  	[dreg:$0x1] =	wrdreg $0xFFFFFFFF  }
0xad: {  	[dreg:$0x0] =	wrdreg $0x60  }
0xae: {  	[dreg:$0x2] =	wrdreg s24  }
0xaf: {  	[dreg:$0x3] =	wrdreg s2  }
0xb0: {  	[dreg:$0x4] =	wrdreg $0x9  }
0xb1: {  	_ =	task.clear_ibuf [dreg:s7], $0x5FFFF;
	_ =	strace $0x90000046  }
0xb2: {  	s29 =	simm.s32 $0x9;
	_ =	strace $0x80000048  }
0xb3: {  	_ =	swait.ge [sflag:s29], $0x1  }
0xb4: {  	[sflag:s29] =	ssyncadd.s32 $0xFFFFFFFF  }
0xb5: {  	_ =	strace $0x90000048  }
0xb6: {  	_ =	sfence  }
0xb7: {  	s30 =	sld [smem:$0x0];
	_ =	sdelay $0x2  }
0xb8: {  	s31 =	sshll.u32 s1, $0xD;
	s1 =	sshrl.u32 s1, $0x2  }
0xb9: {  	s3 =	sand.u32 $0x4000, s31;
	s1 =	sadd.s32 s1, s30  }
0xba: {  	s0 =	sor.u32 s3, s0;
	s1 =	sshll.u32 s1, $0x11  }
0xbb: {  	s0 =	sor.u32 s1, s0  }
0xbc: {  	s0 =	sadd.s32 $0x8F2B, s0  }
0xbd: {  	[sflag:s0] =	ssyncadd.remote.s32 $0x1  }
0xbe: {  	_ =	sfence.sel $0xFFFF  }
0xbf: {  	[dreg:$0x0] =	wrdreg $0xFFFFFFFF;
	(pc) =	sbr.abs _section_cstart, $3  }
0xc0: {  	[dreg:$0x1] =	wrdreg $0xFFFFFFFF  }
0xc1: {  	_ =	task.clear_ibuf [dreg:s7], $0x2FFFF;
	_ =	strace $0x9FFFFFFF  }
0xc2: {  	(tm) =	ssettm $0x7FFFFFFF  }
0xc3: {  	_ =	shalt  }
tec
execute0_lowered:
.L_overlay_start_1:
0x0: {  	(tag) =	ssettag $0x1  }
0x1: {  	s0 =	srdreg.scid;
	s5 =	rddreg [dreg:$0x0]  }
0x2: {  	s1 =	stileid.u32;
	s2 =	rddreg [dreg:$0x1]  }
0x3: {  	s3 =	simm.s32 $0x0;
	s11 =	simm.s32 $0x7;
	s12 =	simm.s32 $0x80  }
0x4: {  	s16 =	simm.s32 $0x9400;
	s17 =	simm.s32 $0x180;
	s18 =	simm.s32 $0xD400  }
0x5: {  	s19 =	simm.s32 $0x1;
	s20 =	simm.s32 $0x11400;
	s21 =	simm.s32 $0x2  }
0x6: {  	s22 =	simm.s32 $0x11C00;
	s23 =	simm.s32 $0x3;
	s24 =	simm.s32 $0x5  }
0x7: {  	s25 =	simm.s32 $0x4;
	s0 =	sand.u32 $0x1, s0;
	s1 =	sshll.u32 s1, $0x1  }
0x8: {  	s26 =	simm.s32 $0x6;
	s28 =	simm.s32 $0x0;
	s1 =	sor.u32 s0, s1  }
0x9: {  	[smem:$0x7FF] =	sst s3;
	s0 =	ssub.s32 $0x2, s0;
	s1 =	smul.u32 $0x4E2, s1  }
.Ltmp0:
0xa: {  	_ =	strace $0x80000047;
	s30 =	sshrl.u32 s0, $0x1;
	(pc) =	sbr.rel .LBB2_1-.Ltmp0, $4  }
0xb: {  	v0 =	vlaneseq.u32;
	s0 =	ssub.s32 s0, s30;
	s4 =	sshrl.u32 s1, $0x1;
	s7 =	sadd.s32 $0x4E2, s1  }
0xc: {  	v0 =	vmul.u32 $0x2, v0;
	s9 =	smax.u32 s0, $0x1;
	s6 =	sand.u32 $0x7FF0, s4;
	s4 =	sadd.s32 $0x200, s5  }
0xd: {  	s31 =	sshrl.u32 s7, $0x5;
	s8 =	sadd.s32 s6, s5;
	s6 =	sshrl.u32 s1, $0x5  }
0xe: {  	v1 =	vor.u32 $0x1, v0;
	s5 =	sadd.s32 $0x2C400, s5;
	s7 =	ssub.s32 s31, s6;
	s8 =	sadd.s32 $0x27400, s8  }
.LBB2_27:
0xf: {  	s28 =	sadd.s32 $0x1, s28  }
0x10: {  	_ =	swait.ge [sflag:s24], $0x800;
	p0 =	sne.s32 s28, s9  }
.Ltmp1:
0x11: {  	[sflag:s24] =	ssyncset.done $0x0;
	(pc) =	sbr.rel @!p0 .LBB2_28-.Ltmp1, $4  }
0x12: {  	[sflag:s24] =	ssyncadd.s32 $0xFFFFF800  }
0x13: {  	_ =	swait.ge [sflag:s26], $0x800  }
0x14: {  	[sflag:s26] =	ssyncset.done $0x0  }
0x15: {  	[sflag:s26] =	ssyncadd.s32 $0xFFFFF800  }
.LBB2_1:
0x16: {  	s0 =	simm.s32 $0x12400  }
0x17: {  	[tilespmem:s0], [sflag:$0x7] =	stream.linear.gather [hbm4b:s5+s3], $0x1, $0x38;
	[tilespmem:$0x12480] =	vst v63  }
0x18: {  	_ =	swait.ge [sflag:s11], $0x1  }
0x19: {  	[sflag:s11] =	ssyncset.done $0x0  }
0x1a: {  	[sflag:s11] =	ssyncadd.s32 $0xFFFFFFFF  }
0x1b: {  	v2 =	vld.msk [tilespmem:$0x12400 ss:$0x0], $0xffff;
	[tilespmem:s3], [sflag:$0x7] =	stream.linear.gather [hbm4b:s8+s3], $0x1400, $0x38  }
0x1c: {  	_ =	swait.ge [sflag:s11], $0x1400  }
0x1d: {  	[sflag:s11] =	ssyncset.done $0x0  }
0x1e: {  	s15 =	simm.s32 $0x1400;
	[sflag:s11] =	ssyncadd.s32 $0xFFFFEC00  }
0x1f: {  	[tilespmem:s15], [sflag:$0x1] =	stream.indirect.gather [hbm4b:s4+s12], $0x80, s3, s12, $0xb8;
	[tilespmem:$0x12480] =	vst v63  }
0x20: {  	s30 =	simm.s32 $0x5400  }
0x21: {  	[tilespmem:s30], [sflag:$0x2] =	stream.indirect.gather [hbm4b:s4+s12], $0x80, s12, s12, $0xb8;
	[tilespmem:$0x12480] =	vst v63  }
.Ltmp2:
0x22: {  	_ = 	snop;
	(pc) =	sbr.rel .LBB2_2-.Ltmp2, $4  }
0x23: {  	s31 =	simm.s32 $0x100  }
0x24: {  	[tilespmem:s16], [sflag:$0x3] =	stream.indirect.gather [hbm4b:s4+s12], $0x80, s31, s12, $0xb8;
	[tilespmem:$0x12480] =	vst v63  }
0x25: {  	s29 =	simm.s32 $0x0  }
0x26: {  	[tilespmem:s18], [sflag:$0x4] =	stream.indirect.gather [hbm4b:s4+s12], $0x80, s17, s12, $0xb8;
	[tilespmem:$0x12480] =	vst v63  }
.LBB2_26:
0x27: {  	s29 =	sadd.s32 $0x1, s29  }
0x28: {  	p0 =	sne.s32 s29, $0xA  }
.Ltmp3:
0x29: {  	_ = 	snop;
	(pc) =	sbr.rel @!p0 .LBB2_27-.Ltmp3, $1  }
0x2a: {  	_ =	sdelay $0x3  }
.LBB2_2:
0x2b: {  	s30 =	sshll.u32 s29, $0x2  }
0x2c: {  	p1 =	sge.s32 s30, s7  }
.Ltmp4:
0x2d: {  	_ = 	snop;
	(pc) =	sbr.rel @p1 .LBB2_8-.Ltmp4, $2  }
0x2e: {  	_ =	sdelay $0x2  }
0x2f: {  	p0 =	seq.s32 s29, $0x0  }
0x30: {  	_ =	swait.ge [sflag:s19], $0x4000  }
0x31: {  	[sflag:s19] =	ssyncset.done $0x0  }
0x32: {  	s0 =	simm.s32 @!p0 $0x5;
	[sflag:s19] =	ssyncadd.s32 $0xFFFFC000  }
0x33: {  	_ =	swait.ge @!p0 [sflag:s0], $0x800  }
0x34: {  	s31 =	simm.s32 $0x0;
	[sflag:s0] =	ssyncset.done @!p0 $0x0  }
0x35: {  	s1 =	simm.s32 $0x1800;
	[sflag:s0] =	ssyncadd.s32 @!p0 $0xFFFFF800;
	s0 =	simm.s32 $0x0  }
.LBB2_4:
0x36: {  	v3 =	vld [tilespmem:s1+$0xFFFFFC10]  }
0x37: {  	v5 =	vld [tilespmem:s1+$0xFFFFFC90]  }
0x38: {  	v6 =	vld [tilespmem:s1+$0xFFFFFD10]  }
0x39: {  	v7 =	vld [tilespmem:s1+$0xFFFFFD90]  }
0x3a: {  	v8 =	vld [tilespmem:s1+$0xFFFFFE10]  }
0x3b: {  	v9 =	vld [tilespmem:s1+$0xFFFFFE90]  }
0x3c: {  	v10 =	vld [tilespmem:s1+$0xFFFFFF10]  }
0x3d: {  	v11 =	vld [tilespmem:s1+$0xFFFFFF90]  }
0x3e: {  	v12 =	vld [tilespmem:s1+$0x10]  }
0x3f: {  	v13 =	vld [tilespmem:s1+$0x90]  }
0x40: {  	v14 =	vld [tilespmem:s1+$0x110]  }
0x41: {  	v15 =	vld [tilespmem:s1+$0x190]  }
0x42: {  	v16 =	vld [tilespmem:s1+$0x210]  }
0x43: {  	v17 =	vld [tilespmem:s1+$0x290]  }
0x44: {  	v18 =	vld [tilespmem:s1+$0x310]  }
0x45: {  	v19 =	vld [tilespmem:s1+$0x390]  }
0x46: {  	v4 =	vld [tilespmem:s1+$0xFFFFFC80]  }
0x47: {  	v20 =	vmov s0;
	v21 =	vld [tilespmem:s1+$0xFFFFFD00];
	v5 =	vadd.bf16 v5, v3;
	v6 =	vadd.bf16 v7, v6  }
0x48: {  	v63 =	vor.u32 s31, v0;
	v7 =	vld [tilespmem:s1+$0xFFFFFD80];
	v8 =	vadd.bf16 v9, v8;
	v9 =	vadd.bf16 v11, v10  }
0x49: {  	s10 =	simm.s32 $0x20;
	v3 =	vshll.u32 v20, $0x7;
	v10 =	vld [tilespmem:s1+$0xFFFFFE00];
	v11 =	vadd.bf16 v13, v12;
	v12 =	vadd.bf16 v15, v14  }
0x4a: {  	v13 =	vld [tilespmem:s1+$0xFFFFFE80];
	v14 =	vadd.bf16 v17, v16;
	v15 =	vadd.bf16 v19, v18;
	v17 =	vor.u32 s10, v1  }
0x4b: {  	v16 =	vld [tilespmem:s1+$0xFFFFFF00];
	v3 =	vand.u32 $0x380, v3;
	v5 =	vadd.bf16 v6, v5;
	v6 =	vadd.bf16 v9, v8  }
0x4c: {  	v19 =	vld [tilespmem:s1+$0x80];
	v8 =	vadd.bf16 v12, v11;
	v11 =	vadd.bf16 v15, v14;
	v12 =	vor.u32 s10, v0  }
0x4d: {  	v3 =	vbroadcast v3, $0x0;
	v9 =	vld [tilespmem:s1+$0xFFFFFF80];
	v15 =	vmov s10;
	v12 =	vand.u32 $0x7E, v12  }
0x4e: {  	v14 =	vld [tilespmem:s1+$0x0];
	v5 =	vadd.bf16 v6, v5;
	v6 =	vadd.bf16 v11, v8;
	v8 =	vshll.u32 v15, $0x3  }
0x4f: {  	v20 =	vld [tilespmem:s1+$0x100];
	v11 =	vand.u32 $0x400, v8;
	v8 =	vor.u32 v12, v3;
	v12 =	vand.u32 $0x7F, v17  }
0x50: {  	v17 =	vld [tilespmem:s1+$0x180];
	v15 =	vadd.bf16 v6, v5;
	v22 =	vor.u32 v11, v8;
	v6 =	vor.u32 v12, v3  }
0x51: {  	v18 =	vmov s31;
	v8 =	vld [tilespmem:s1+$0x200];
	v5 =	vadd.bf16 v7, v21;
	v6 =	vor.u32 v11, v6  }
0x52: {  	v7 =	vadd.bf16 v13, v10;
	v10 =	vld [tilespmem:s1+$0x280];
	v13 =	vadd.bf16 v9, v16;
	v12 =	vunpack.i.l.bf16.f32 v15  }
0x53: {  	v9 =	vld [tilespmem:s1+$0x300];
	v11 =	vadd.bf16 v19, v14;
	v14 =	vunpack.i.u.bf16.f32 v15;
	v19 =	vmul.f32 v12, v2  }
0x54: {  	v18 =	vshll.u32 v18, $0x3;
	v12 =	vld [tilespmem:s1+$0x380];
	v7 =	vadd.bf16 v13, v7;
	v13 =	vmul.f32 v14, v2  }
0x55: {  	s13 =	sadd.s32 $0x20, s1;
	s14 =	simm.s32 $0x0;
	s10 =	simm.s32 $0x0;
	v15 =	vor.u32 s31, v1;
	v14 =	vld [tilespmem:s1+$0xFFFFFC00];
	v16 =	vadd.bf16 v17, v20;
	v17 =	vand.u32 $0x5E, v63;
	[tilespmem:v22+s20+$0x0] =	vst.idx.msk $0xffff, v19  }
.LBB2_5:
0x56: {  	v19 =	vld [tilespmem:s13+$0xFFFFFC10];
	v18 =	vand.u32 $0x400, v18;
	v17 =	vor.u32 v17, v3;
	v15 =	vand.u32 $0x5F, v15;
	[tilespmem:v6+s20+$0x0] =	vst.idx.msk $0xffff, v13  }
0x57: {  	v6 =	vld [tilespmem:s13+$0xFFFFFC90];
	v8 =	vadd.bf16 v10, v8;
	v10 =	vadd.bf16 v16, v11;
	v11 =	vor.u32 v15, v3  }
0x58: {  	v15 =	vor.u32 v18, v17;
	v13 =	vld [tilespmem:s13+$0xFFFFFD10];
	v11 =	vor.u32 v18, v11  }
0x59: {  	v16 =	vld [tilespmem:s13+$0xFFFFFD90];
	v9 =	vadd.bf16 v12, v9  }
0x5a: {  	v12 =	vld [tilespmem:s13+$0xFFFFFE10];
	v4 =	vadd.bf16 v4, v14  }
0x5b: {  	v14 =	vld [tilespmem:s13+$0xFFFFFE90];
	v8 =	vadd.bf16 v9, v8  }
0x5c: {  	v9 =	vld [tilespmem:s13+$0xFFFFFF10];
	v4 =	vadd.bf16 v5, v4  }
0x5d: {  	v5 =	vld [tilespmem:s13+$0xFFFFFF90];
	v8 =	vadd.bf16 v8, v10  }
0x5e: {  	v10 =	vld [tilespmem:s13+$0x10];
	v4 =	vadd.bf16 v7, v4  }
0x5f: {  	v7 =	vld [tilespmem:s13+$0x90]  }
0x60: {  	v17 =	vld [tilespmem:s13+$0x110];
	v4 =	vadd.bf16 v8, v4  }
0x61: {  	v8 =	vld [tilespmem:s13+$0x190]  }
0x62: {  	v18 =	vld [tilespmem:s13+$0x210];
	v20 =	vunpack.i.u.bf16.f32 v4;
	v4 =	vunpack.i.l.bf16.f32 v4  }
0x63: {  	v21 =	vld [tilespmem:s13+$0x290];
	v4 =	vmul.f32 v4, v2;
	v20 =	vmul.f32 v20, v2  }
0x64: {  	v22 =	vld [tilespmem:s13+$0x310]  }
0x65: {  	v23 =	vld [tilespmem:s13+$0x390];
	[tilespmem:v15+s20+$0x0] =	vst.idx.msk $0xffff, v4  }
0x66: {  	s10 =	sadd.s32 $0x20, s10;
	v4 =	vld [tilespmem:s13+$0xFFFFFC80];
	[tilespmem:v11+s20+$0x0] =	vst.idx.msk $0xffff, v20  }
0x67: {  	p1 =	slt.u32 s10, $0x60;
	v6 =	vadd.bf16 v6, v19;
	v13 =	vadd.bf16 v16, v13;
	v11 =	vld [tilespmem:s13+$0xFFFFFD00]  }
0x68: {  	v12 =	vadd.bf16 v14, v12;
	v5 =	vadd.bf16 v5, v9;
	v15 =	vld [tilespmem:s13+$0xFFFFFD80]  }
0x69: {  	v7 =	vadd.bf16 v7, v10;
	v8 =	vadd.bf16 v8, v17;
	v9 =	vld [tilespmem:s13+$0xFFFFFE00]  }
0x6a: {  	s14 =	sadd.s32 $0x40, s14;
	v14 =	vadd.bf16 v21, v18;
	v10 =	vld [tilespmem:s13+$0xFFFFFE80];
	v16 =	vadd.bf16 v23, v22  }
0x6b: {  	s15 =	sadd.s32 $0x20, s14;
	v6 =	vadd.bf16 v13, v6;
	v5 =	vadd.bf16 v5, v12;
	v18 =	vmov s14;
	v17 =	vld [tilespmem:s13+$0xFFFFFF00]  }
0x6c: {  	v13 =	vor.u32 s15, v0;
	v7 =	vadd.bf16 v8, v7;
	v12 =	vld [tilespmem:s13+$0xFFFFFF80];
	v8 =	vadd.bf16 v16, v14  }
0x6d: {  	v19 =	vor.u32 s15, v1;
	v13 =	vand.u32 $0x7E, v13;
	v16 =	vmov s15;
	v14 =	vld [tilespmem:s13+$0x0]  }
0x6e: {  	v5 =	vadd.bf16 v5, v6;
	v20 =	vld [tilespmem:s13+$0x80];
	v6 =	vadd.bf16 v8, v7;
	v7 =	vshll.u32 v16, $0x3  }
0x6f: {  	v8 =	vor.u32 v13, v3;
	v13 =	vand.u32 $0x7F, v19;
	v16 =	vld [tilespmem:s13+$0x100];
	v7 =	vand.u32 $0x400, v7  }
0x70: {  	v19 =	vld [tilespmem:s13+$0x180];
	v21 =	vadd.bf16 v6, v5;
	v22 =	vor.u32 v7, v8;
	v6 =	vor.u32 v13, v3  }
.Ltmp5:
0x71: {  	v5 =	vadd.bf16 v15, v11;
	v13 =	vadd.bf16 v10, v9;
	v8 =	vld [tilespmem:s13+$0x200];
	v6 =	vor.u32 v7, v6;
	(pc) =	sbr.rel @p1 .LBB2_5-.Ltmp5, $4  }
0x72: {  	v7 =	vadd.bf16 v12, v17;
	v17 =	vor.u32 s14, v0;
	v10 =	vld [tilespmem:s13+$0x280];
	v12 =	vunpack.i.l.bf16.f32 v21  }
0x73: {  	v9 =	vld [tilespmem:s13+$0x300];
	v11 =	vadd.bf16 v20, v14;
	v14 =	vunpack.i.u.bf16.f32 v21;
	v20 =	vmul.f32 v12, v2  }
0x74: {  	v15 =	vor.u32 s14, v1;
	v7 =	vadd.bf16 v7, v13;
	v12 =	vld [tilespmem:s13+$0x380];
	v13 =	vmul.f32 v14, v2  }
0x75: {  	v18 =	vshll.u32 v18, $0x3;
	v17 =	vand.u32 $0x5E, v17;
	v14 =	vld [tilespmem:s13+$0xFFFFFC00];
	v16 =	vadd.bf16 v19, v16;
	[tilespmem:v22+s20+$0x0] =	vst.idx.msk $0xffff, v20;
	s13 =	sadd.s32 $0x20, s13  }
0x76: {  	_ =	sdelay $0x2  }
0x77: {  	v8 =	vadd.bf16 v10, v8  }
0x78: {  	v9 =	vadd.bf16 v12, v9;
	v4 =	vadd.bf16 v4, v14  }
0x79: {  	v59 =	vadd.bf16 v16, v11  }
0x7a: {  	v8 =	vadd.bf16 v9, v8;
	v4 =	vadd.bf16 v5, v4;
	_ =	sdelay $0x1  }
0x7b: {  	v60 =	vadd.bf16 v8, v59;
	v4 =	vadd.bf16 v7, v4  }
0x7c: {  	v61 =	vand.u32 $0x400, v18;
	v62 =	vor.u32 v17, v3;
	v63 =	vand.u32 $0x5F, v15  }
0x7d: {  	s0 =	sadd.s32 $0x1, s0;
	v3 =	vor.u32 v63, v3;
	v8 =	vor.u32 v61, v62;
	v4 =	vadd.bf16 v60, v4  }
0x7e: {  	p1 =	sne.s32 s0, $0x8;
	v3 =	vor.u32 v61, v3  }
.Ltmp6:
0x7f: {  	v5 =	vunpack.i.l.bf16.f32 v4;
	(pc) =	sbr.rel @p1 .LBB2_4-.Ltmp6, $4  }
0x80: {  	v4 =	vunpack.i.u.bf16.f32 v4;
	v5 =	vmul.f32 v5, v2  }
0x81: {  	[tilespmem:v6+s20+$0x0] =	vst.idx.msk $0xffff, v13;
	v4 =	vmul.f32 v4, v2  }
0x82: {  	[tilespmem:v8+s20+$0x0] =	vst.idx.msk $0xffff, v5  }
0x83: {  	s1 =	sadd.s32 $0x800, s1;
	[tilespmem:v3+s20+$0x0] =	vst.idx.msk $0xffff, v4  }
0x84: {  	s0 =	sadd.s32 s6, s30  }
0x85: {  	s0 =	sshll.u32 s0, $0x8  }
0x86: {  	s0 =	sadd.s32 s2, s0  }
0x87: {  	[hbm4b:s0+s3] =	stream.linear.scatter [tilespmem:s20], [sflag:$0x5], $0x800, $0x38;
	[tilespmem:$0x12480] =	vst v63  }
0x88: {  	s0 =	sadd.s32 $0x4, s30  }
0x89: {  	p1 =	sge.s32 s0, s7  }
0x8a: {  	s0 =	sshll.u32 @!p1 s0, $0x7  }
0x8b: {  	s1 =	simm.s32 @!p1 $0x80;
	s10 =	simm.s32 @!p1 $0x1400;
	s0 =	sand.u32 @!p1 $0x3FFFFF80, s0  }
0x8c: {  	[tilespmem:s10], [sflag:$0x1] =	stream.indirect.gather @!p1 [hbm4b:s4+s1], $0x80, s0, s1, $0xb8;
	[tilespmem:$0x12480] =	vst v63  }
.LBB2_8:
0x8d: {  	s31 =	sor.u32 $0x1, s30  }
0x8e: {  	p1 =	sge.s32 s31, s7  }
.Ltmp7:
0x8f: {  	_ = 	snop;
	(pc) =	sbr.rel @p1 .LBB2_14-.Ltmp7, $1  }
0x90: {  	_ =	sdelay $0x3  }
0x91: {  	_ =	swait.ge [sflag:s21], $0x4000  }
0x92: {  	[sflag:s21] =	ssyncset.done $0x0  }
0x93: {  	s0 =	simm.s32 @!p0 $0x6;
	[sflag:s21] =	ssyncadd.s32 $0xFFFFC000  }
0x94: {  	_ =	swait.ge @!p0 [sflag:s0], $0x800  }
0x95: {  	[sflag:s0] =	ssyncset.done @!p0 $0x0  }
0x96: {  	s1 =	simm.s32 $0x0;
	[sflag:s0] =	ssyncadd.s32 @!p0 $0xFFFFF800;
	s0 =	simm.s32 $0x5B90  }
.LBB2_10:
0x97: {  	v3 =	vld [tilespmem:s0+$0xFFFFF880]  }
0x98: {  	v5 =	vld [tilespmem:s0+$0xFFFFF900]  }
0x99: {  	v6 =	vld [tilespmem:s0+$0xFFFFF980]  }
0x9a: {  	v7 =	vld [tilespmem:s0+$0xFFFFFA00]  }
0x9b: {  	v8 =	vld [tilespmem:s0+$0xFFFFFA80]  }
0x9c: {  	v9 =	vld [tilespmem:s0+$0xFFFFFB00]  }
0x9d: {  	v10 =	vld [tilespmem:s0+$0xFFFFFB80]  }
0x9e: {  	v11 =	vld [tilespmem:s0+$0xFFFFFC00]  }
0x9f: {  	v12 =	vld [tilespmem:s0+$0xFFFFFC80]  }
0xa0: {  	v13 =	vld [tilespmem:s0+$0xFFFFFD00]  }
0xa1: {  	v14 =	vld [tilespmem:s0+$0xFFFFFD80]  }
0xa2: {  	v15 =	vld [tilespmem:s0+$0xFFFFFE00]  }
0xa3: {  	v16 =	vld [tilespmem:s0+$0xFFFFFE80]  }
0xa4: {  	v17 =	vld [tilespmem:s0+$0xFFFFFF00]  }
0xa5: {  	v18 =	vld [tilespmem:s0+$0xFFFFFF80]  }
0xa6: {  	v19 =	vld [tilespmem:s0+$0x0]  }
0xa7: {  	v4 =	vld [tilespmem:s0+$0xFFFFF8F0];
	v5 =	vadd.bf16 v5, v3  }
0xa8: {  	v20 =	vld [tilespmem:s0+$0xFFFFF970];
	v6 =	vadd.bf16 v7, v6;
	v8 =	vadd.bf16 v9, v8  }
0xa9: {  	v7 =	vld [tilespmem:s0+$0xFFFFF9F0];
	v9 =	vadd.bf16 v11, v10;
	v11 =	vadd.bf16 v13, v12  }
0xaa: {  	s10 =	simm.s32 $0x20;
	v3 =	vmov s1;
	v10 =	vld [tilespmem:s0+$0xFFFFFA70];
	v12 =	vadd.bf16 v15, v14;
	v14 =	vadd.bf16 v17, v16  }
0xab: {  	v13 =	vld [tilespmem:s0+$0xFFFFFAF0];
	v15 =	vadd.bf16 v19, v18;
	v17 =	vor.u32 s10, v1;
	v3 =	vshll.u32 v3, $0x7  }
0xac: {  	v16 =	vld [tilespmem:s0+$0xFFFFFB70];
	v3 =	vand.u32 $0x380, v3;
	v5 =	vadd.bf16 v6, v5;
	v6 =	vadd.bf16 v9, v8  }
0xad: {  	v18 =	vld [tilespmem:s0+$0xFFFFFCF0];
	v8 =	vadd.bf16 v12, v11;
	v11 =	vadd.bf16 v15, v14;
	v12 =	vor.u32 s10, v0  }
0xae: {  	v9 =	vld [tilespmem:s0+$0xFFFFFBF0];
	v15 =	vmov s10;
	v3 =	vbroadcast v3, $0x0;
	v12 =	vand.u32 $0x7E, v12  }
0xaf: {  	v14 =	vld [tilespmem:s0+$0xFFFFFC70];
	v5 =	vadd.bf16 v6, v5;
	v6 =	vadd.bf16 v11, v8;
	v8 =	vshll.u32 v15, $0x3  }
0xb0: {  	v19 =	vld [tilespmem:s0+$0xFFFFFD70];
	v11 =	vand.u32 $0x400, v8;
	v8 =	vor.u32 v12, v3;
	v12 =	vand.u32 $0x7F, v17  }
0xb1: {  	v17 =	vld [tilespmem:s0+$0xFFFFFDF0];
	v15 =	vadd.bf16 v6, v5;
	v21 =	vor.u32 v11, v8;
	v6 =	vor.u32 v12, v3  }
0xb2: {  	s14 =	simm.s32 $0x0;
	v8 =	vld [tilespmem:s0+$0xFFFFFE70];
	v5 =	vadd.bf16 v7, v20;
	v7 =	vadd.bf16 v13, v10;
	v6 =	vor.u32 v11, v6  }
0xb3: {  	v10 =	vld [tilespmem:s0+$0xFFFFFEF0];
	v13 =	vadd.bf16 v9, v16;
	v11 =	vmov s14;
	v16 =	vunpack.i.l.bf16.f32 v15  }
0xb4: {  	v9 =	vld [tilespmem:s0+$0xFFFFFF70];
	v12 =	vadd.bf16 v18, v14;
	v15 =	vunpack.i.u.bf16.f32 v15;
	v20 =	vmul.f32 v16, v2  }
0xb5: {  	v14 =	vld [tilespmem:s0+$0xFFFFFFF0];
	v18 =	vor.u32 s14, v0;
	v7 =	vadd.bf16 v13, v7;
	v13 =	vmul.f32 v15, v2  }
0xb6: {  	s13 =	simm.s32 $0x0;
	v15 =	vld [tilespmem:s0+$0xFFFFF870];
	v16 =	vadd.bf16 v17, v19;
	v17 =	vand.u32 $0x5E, v18;
	v18 =	vor.u32 s14, v1;
	s14 =	sadd.s32 $0x20, s0;
	[tilespmem:v21+s22+$0x0] =	vst.idx.msk $0xffff, v20  }
.LBB2_11:
0xb7: {  	v19 =	vld [tilespmem:s14+$0xFFFFF880];
	v11 =	vshll.u32 v11, $0x3;
	v17 =	vor.u32 v17, v3;
	v18 =	vand.u32 $0x5F, v18;
	[tilespmem:v6+s22+$0x0] =	vst.idx.msk $0xffff, v13  }
0xb8: {  	v6 =	vld [tilespmem:s14+$0xFFFFF900];
	v8 =	vadd.bf16 v10, v8;
	v10 =	vadd.bf16 v16, v12;
	v11 =	vand.u32 $0x400, v11  }
0xb9: {  	v16 =	vor.u32 v18, v3;
	v12 =	vld [tilespmem:s14+$0xFFFFF980];
	v13 =	vor.u32 v11, v17  }
0xba: {  	v11 =	vor.u32 v11, v16;
	v17 =	vld [tilespmem:s14+$0xFFFFFA00];
	v9 =	vadd.bf16 v14, v9  }
0xbb: {  	v14 =	vld [tilespmem:s14+$0xFFFFFA80];
	v4 =	vadd.bf16 v4, v15  }
0xbc: {  	v15 =	vld [tilespmem:s14+$0xFFFFFB00];
	v8 =	vadd.bf16 v9, v8  }
0xbd: {  	v9 =	vld [tilespmem:s14+$0xFFFFFB80];
	v4 =	vadd.bf16 v5, v4  }
0xbe: {  	v5 =	vld [tilespmem:s14+$0xFFFFFC00];
	v8 =	vadd.bf16 v8, v10  }
0xbf: {  	v10 =	vld [tilespmem:s14+$0xFFFFFC80];
	v4 =	vadd.bf16 v7, v4  }
0xc0: {  	v7 =	vld [tilespmem:s14+$0xFFFFFD00]  }
0xc1: {  	v16 =	vld [tilespmem:s14+$0xFFFFFD80];
	v4 =	vadd.bf16 v8, v4  }
0xc2: {  	v8 =	vld [tilespmem:s14+$0xFFFFFE00]  }
0xc3: {  	v18 =	vld [tilespmem:s14+$0xFFFFFE80];
	v20 =	vunpack.i.u.bf16.f32 v4;
	v4 =	vunpack.i.l.bf16.f32 v4  }
0xc4: {  	v21 =	vld [tilespmem:s14+$0xFFFFFF00];
	v4 =	vmul.f32 v4, v2;
	v20 =	vmul.f32 v20, v2  }
0xc5: {  	v22 =	vld [tilespmem:s14+$0xFFFFFF80]  }
0xc6: {  	v23 =	vld [tilespmem:s14+$0x0];
	[tilespmem:v13+s22+$0x0] =	vst.idx.msk $0xffff, v4  }
0xc7: {  	s13 =	sadd.s32 $0x20, s13;
	v4 =	vld [tilespmem:s14+$0xFFFFF8F0];
	[tilespmem:v11+s22+$0x0] =	vst.idx.msk $0xffff, v20  }
0xc8: {  	p0 =	slt.u32 s13, $0x60;
	v6 =	vadd.bf16 v6, v19;
	v12 =	vadd.bf16 v17, v12;
	v11 =	vld [tilespmem:s14+$0xFFFFF970]  }
0xc9: {  	v14 =	vadd.bf16 v15, v14;
	v5 =	vadd.bf16 v5, v9;
	v13 =	vld [tilespmem:s14+$0xFFFFF9F0]  }
0xca: {  	v7 =	vadd.bf16 v7, v10;
	v8 =	vadd.bf16 v8, v16;
	v9 =	vld [tilespmem:s14+$0xFFFFFA70]  }
0xcb: {  	v15 =	vadd.bf16 v21, v18;
	v10 =	vld [tilespmem:s14+$0xFFFFFAF0];
	v16 =	vadd.bf16 v23, v22  }
0xcc: {  	s10 =	sadd.s32 $0x40, s10;
	v6 =	vadd.bf16 v12, v6;
	v5 =	vadd.bf16 v5, v14;
	v17 =	vld [tilespmem:s14+$0xFFFFFB70]  }
0xcd: {  	s15 =	sadd.s32 $0xFFFFFFE0, s10;
	v14 =	vor.u32 s10, v0;
	v7 =	vadd.bf16 v8, v7;
	v12 =	vld [tilespmem:s14+$0xFFFFFBF0];
	v8 =	vadd.bf16 v16, v15  }
0xce: {  	v14 =	vand.u32 $0x7E, v14;
	v18 =	vor.u32 s10, v1;
	v16 =	vmov s10;
	v15 =	vld [tilespmem:s14+$0xFFFFFC70]  }
0xcf: {  	v5 =	vadd.bf16 v5, v6;
	v19 =	vld [tilespmem:s14+$0xFFFFFCF0];
	v6 =	vadd.bf16 v8, v7;
	v7 =	vshll.u32 v16, $0x3  }
0xd0: {  	v8 =	vor.u32 v14, v3;
	v14 =	vand.u32 $0x7F, v18;
	v16 =	vld [tilespmem:s14+$0xFFFFFD70];
	v7 =	vand.u32 $0x400, v7  }
0xd1: {  	v18 =	vld [tilespmem:s14+$0xFFFFFDF0];
	v20 =	vadd.bf16 v6, v5;
	v21 =	vor.u32 v7, v8;
	v6 =	vor.u32 v14, v3  }
.Ltmp8:
0xd2: {  	v5 =	vadd.bf16 v13, v11;
	v13 =	vadd.bf16 v10, v9;
	v8 =	vld [tilespmem:s14+$0xFFFFFE70];
	v6 =	vor.u32 v7, v6;
	(pc) =	sbr.rel @p0 .LBB2_11-.Ltmp8, $4  }
0xd3: {  	v11 =	vmov s15;
	v7 =	vadd.bf16 v12, v17;
	v10 =	vld [tilespmem:s14+$0xFFFFFEF0];
	v14 =	vunpack.i.l.bf16.f32 v20  }
0xd4: {  	v9 =	vld [tilespmem:s14+$0xFFFFFF70];
	v12 =	vadd.bf16 v19, v15;
	v15 =	vunpack.i.u.bf16.f32 v20;
	v19 =	vmul.f32 v14, v2  }
0xd5: {  	v17 =	vor.u32 s15, v0;
	v7 =	vadd.bf16 v7, v13;
	v14 =	vld [tilespmem:s14+$0xFFFFFFF0];
	v13 =	vmul.f32 v15, v2  }
0xd6: {  	v17 =	vand.u32 $0x5E, v17;
	v15 =	vld [tilespmem:s14+$0xFFFFF870];
	v16 =	vadd.bf16 v18, v16;
	v18 =	vor.u32 s15, v1;
	[tilespmem:v21+s22+$0x0] =	vst.idx.msk $0xffff, v19;
	s14 =	sadd.s32 $0x20, s14  }
0xd7: {  	_ =	sdelay $0x2  }
0xd8: {  	v8 =	vadd.bf16 v10, v8  }
0xd9: {  	v9 =	vadd.bf16 v14, v9;
	v4 =	vadd.bf16 v4, v15  }
0xda: {  	v59 =	vadd.bf16 v16, v12  }
0xdb: {  	v8 =	vadd.bf16 v9, v8;
	v4 =	vadd.bf16 v5, v4;
	_ =	sdelay $0x1  }
0xdc: {  	v60 =	vshll.u32 v11, $0x3;
	v8 =	vadd.bf16 v8, v59;
	v4 =	vadd.bf16 v7, v4  }
0xdd: {  	v61 =	vor.u32 v17, v3;
	v62 =	vand.u32 $0x5F, v18;
	v5 =	vand.u32 $0x400, v60  }
0xde: {  	s1 =	sadd.s32 $0x1, s1;
	v3 =	vor.u32 v62, v3;
	v7 =	vor.u32 v5, v61;
	v4 =	vadd.bf16 v8, v4  }
0xdf: {  	p0 =	sne.s32 s1, $0x8;
	v3 =	vor.u32 v5, v3  }
.Ltmp9:
0xe0: {  	v63 =	vunpack.i.l.bf16.f32 v4;
	(pc) =	sbr.rel @p0 .LBB2_10-.Ltmp9, $4  }
0xe1: {  	v4 =	vunpack.i.u.bf16.f32 v4;
	v5 =	vmul.f32 v63, v2  }
0xe2: {  	[tilespmem:v6+s22+$0x0] =	vst.idx.msk $0xffff, v13;
	v4 =	vmul.f32 v4, v2  }
0xe3: {  	[tilespmem:v7+s22+$0x0] =	vst.idx.msk $0xffff, v5  }
0xe4: {  	s0 =	sadd.s32 $0x800, s0;
	[tilespmem:v3+s22+$0x0] =	vst.idx.msk $0xffff, v4  }
0xe5: {  	s0 =	sadd.s32 s6, s31  }
0xe6: {  	s0 =	sshll.u32 s0, $0x8  }
0xe7: {  	s0 =	sadd.s32 s2, s0  }
0xe8: {  	[hbm4b:s0+s3] =	stream.linear.scatter [tilespmem:s22], [sflag:$0x6], $0x800, $0x38;
	[tilespmem:$0x12480] =	vst v63  }
0xe9: {  	s0 =	sadd.s32 $0x5, s30  }
0xea: {  	p0 =	sge.s32 s0, s7  }
0xeb: {  	s0 =	sshll.u32 @!p0 s0, $0x7  }
0xec: {  	s1 =	simm.s32 @!p0 $0x80;
	s10 =	simm.s32 @!p0 $0x5400;
	s0 =	sand.u32 @!p0 $0x3FFFFF80, s0  }
0xed: {  	[tilespmem:s10], [sflag:$0x2] =	stream.indirect.gather @!p0 [hbm4b:s4+s1], $0x80, s0, s1, $0xb8;
	[tilespmem:$0x12480] =	vst v63  }
.LBB2_14:
0xee: {  	s31 =	sor.u32 $0x2, s30  }
0xef: {  	p0 =	sge.s32 s31, s7  }
.Ltmp10:
0xf0: {  	_ = 	snop;
	(pc) =	sbr.rel @p0 .LBB2_20-.Ltmp10, $1  }
0xf1: {  	_ =	sdelay $0x3  }
0xf2: {  	_ =	swait.ge [sflag:s23], $0x4000  }
0xf3: {  	[sflag:s23] =	ssyncset.done $0x0  }
0xf4: {  	[sflag:s23] =	ssyncadd.s32 $0xFFFFC000  }
0xf5: {  	_ =	swait.ge [sflag:s24], $0x800  }
0xf6: {  	[sflag:s24] =	ssyncset.done $0x0  }
0xf7: {  	s1 =	simm.s32 $0x0;
	s0 =	simm.s32 $0x9B90;
	[sflag:s24] =	ssyncadd.s32 $0xFFFFF800  }
.LBB2_16:
0xf8: {  	v3 =	vld [tilespmem:s0+$0xFFFFF880]  }
0xf9: {  	v5 =	vld [tilespmem:s0+$0xFFFFF900]  }
0xfa: {  	v6 =	vld [tilespmem:s0+$0xFFFFF980]  }
0xfb: {  	v7 =	vld [tilespmem:s0+$0xFFFFFA00]  }
0xfc: {  	v8 =	vld [tilespmem:s0+$0xFFFFFA80]  }
0xfd: {  	v9 =	vld [tilespmem:s0+$0xFFFFFB00]  }
0xfe: {  	v10 =	vld [tilespmem:s0+$0xFFFFFB80]  }
0xff: {  	v11 =	vld [tilespmem:s0+$0xFFFFFC00]  }
0x100: {  	v12 =	vld [tilespmem:s0+$0xFFFFFC80]  }
0x101: {  	v13 =	vld [tilespmem:s0+$0xFFFFFD00]  }
0x102: {  	v14 =	vld [tilespmem:s0+$0xFFFFFD80]  }
0x103: {  	v15 =	vld [tilespmem:s0+$0xFFFFFE00]  }
0x104: {  	v16 =	vld [tilespmem:s0+$0xFFFFFE80]  }
0x105: {  	v17 =	vld [tilespmem:s0+$0xFFFFFF00]  }
0x106: {  	v18 =	vld [tilespmem:s0+$0xFFFFFF80]  }
0x107: {  	v19 =	vld [tilespmem:s0+$0x0]  }
0x108: {  	v4 =	vld [tilespmem:s0+$0xFFFFF8F0];
	v5 =	vadd.bf16 v5, v3  }
0x109: {  	v20 =	vld [tilespmem:s0+$0xFFFFF970];
	v6 =	vadd.bf16 v7, v6;
	v8 =	vadd.bf16 v9, v8  }
0x10a: {  	v7 =	vld [tilespmem:s0+$0xFFFFF9F0];
	v9 =	vadd.bf16 v11, v10;
	v11 =	vadd.bf16 v13, v12  }
0x10b: {  	s10 =	simm.s32 $0x20;
	v3 =	vmov s1;
	v10 =	vld [tilespmem:s0+$0xFFFFFA70];
	v12 =	vadd.bf16 v15, v14;
	v14 =	vadd.bf16 v17, v16  }
0x10c: {  	v13 =	vld [tilespmem:s0+$0xFFFFFAF0];
	v15 =	vadd.bf16 v19, v18;
	v17 =	vor.u32 s10, v1;
	v3 =	vshll.u32 v3, $0x7  }
0x10d: {  	v16 =	vld [tilespmem:s0+$0xFFFFFB70];
	v3 =	vand.u32 $0x380, v3;
	v5 =	vadd.bf16 v6, v5;
	v6 =	vadd.bf16 v9, v8  }
0x10e: {  	v18 =	vld [tilespmem:s0+$0xFFFFFCF0];
	v8 =	vadd.bf16 v12, v11;
	v11 =	vadd.bf16 v15, v14;
	v12 =	vor.u32 s10, v0  }
0x10f: {  	v9 =	vld [tilespmem:s0+$0xFFFFFBF0];
	v15 =	vmov s10;
	v3 =	vbroadcast v3, $0x0;
	v12 =	vand.u32 $0x7E, v12  }
0x110: {  	v14 =	vld [tilespmem:s0+$0xFFFFFC70];
	v5 =	vadd.bf16 v6, v5;
	v6 =	vadd.bf16 v11, v8;
	v8 =	vshll.u32 v15, $0x3  }
0x111: {  	v19 =	vld [tilespmem:s0+$0xFFFFFD70];
	v11 =	vand.u32 $0x400, v8;
	v8 =	vor.u32 v12, v3;
	v12 =	vand.u32 $0x7F, v17  }
0x112: {  	v17 =	vld [tilespmem:s0+$0xFFFFFDF0];
	v15 =	vadd.bf16 v6, v5;
	v21 =	vor.u32 v11, v8;
	v6 =	vor.u32 v12, v3  }
0x113: {  	s14 =	simm.s32 $0x0;
	v8 =	vld [tilespmem:s0+$0xFFFFFE70];
	v5 =	vadd.bf16 v7, v20;
	v7 =	vadd.bf16 v13, v10;
	v6 =	vor.u32 v11, v6  }
0x114: {  	v10 =	vld [tilespmem:s0+$0xFFFFFEF0];
	v13 =	vadd.bf16 v9, v16;
	v11 =	vmov s14;
	v16 =	vunpack.i.l.bf16.f32 v15  }
0x115: {  	v9 =	vld [tilespmem:s0+$0xFFFFFF70];
	v12 =	vadd.bf16 v18, v14;
	v15 =	vunpack.i.u.bf16.f32 v15;
	v20 =	vmul.f32 v16, v2  }
0x116: {  	v14 =	vld [tilespmem:s0+$0xFFFFFFF0];
	v18 =	vor.u32 s14, v0;
	v7 =	vadd.bf16 v13, v7;
	v13 =	vmul.f32 v15, v2  }
0x117: {  	s13 =	simm.s32 $0x0;
	v15 =	vld [tilespmem:s0+$0xFFFFF870];
	v16 =	vadd.bf16 v17, v19;
	v17 =	vand.u32 $0x5E, v18;
	v18 =	vor.u32 s14, v1;
	s14 =	sadd.s32 $0x20, s0;
	[tilespmem:v21+s20+$0x0] =	vst.idx.msk $0xffff, v20  }
.LBB2_17:
0x118: {  	v19 =	vld [tilespmem:s14+$0xFFFFF880];
	v11 =	vshll.u32 v11, $0x3;
	v17 =	vor.u32 v17, v3;
	v18 =	vand.u32 $0x5F, v18;
	[tilespmem:v6+s20+$0x0] =	vst.idx.msk $0xffff, v13  }
0x119: {  	v6 =	vld [tilespmem:s14+$0xFFFFF900];
	v8 =	vadd.bf16 v10, v8;
	v10 =	vadd.bf16 v16, v12;
	v11 =	vand.u32 $0x400, v11  }
0x11a: {  	v16 =	vor.u32 v18, v3;
	v12 =	vld [tilespmem:s14+$0xFFFFF980];
	v13 =	vor.u32 v11, v17  }
0x11b: {  	v11 =	vor.u32 v11, v16;
	v17 =	vld [tilespmem:s14+$0xFFFFFA00];
	v9 =	vadd.bf16 v14, v9  }
0x11c: {  	v14 =	vld [tilespmem:s14+$0xFFFFFA80];
	v4 =	vadd.bf16 v4, v15  }
0x11d: {  	v15 =	vld [tilespmem:s14+$0xFFFFFB00];
	v8 =	vadd.bf16 v9, v8  }
0x11e: {  	v9 =	vld [tilespmem:s14+$0xFFFFFB80];
	v4 =	vadd.bf16 v5, v4  }
0x11f: {  	v5 =	vld [tilespmem:s14+$0xFFFFFC00];
	v8 =	vadd.bf16 v8, v10  }
0x120: {  	v10 =	vld [tilespmem:s14+$0xFFFFFC80];
	v4 =	vadd.bf16 v7, v4  }
0x121: {  	v7 =	vld [tilespmem:s14+$0xFFFFFD00]  }
0x122: {  	v16 =	vld [tilespmem:s14+$0xFFFFFD80];
	v4 =	vadd.bf16 v8, v4  }
0x123: {  	v8 =	vld [tilespmem:s14+$0xFFFFFE00]  }
0x124: {  	v18 =	vld [tilespmem:s14+$0xFFFFFE80];
	v20 =	vunpack.i.u.bf16.f32 v4;
	v4 =	vunpack.i.l.bf16.f32 v4  }
0x125: {  	v21 =	vld [tilespmem:s14+$0xFFFFFF00];
	v4 =	vmul.f32 v4, v2;
	v20 =	vmul.f32 v20, v2  }
0x126: {  	v22 =	vld [tilespmem:s14+$0xFFFFFF80]  }
0x127: {  	v23 =	vld [tilespmem:s14+$0x0];
	[tilespmem:v13+s20+$0x0] =	vst.idx.msk $0xffff, v4  }
0x128: {  	s13 =	sadd.s32 $0x20, s13;
	v4 =	vld [tilespmem:s14+$0xFFFFF8F0];
	[tilespmem:v11+s20+$0x0] =	vst.idx.msk $0xffff, v20  }
0x129: {  	p0 =	slt.u32 s13, $0x60;
	v6 =	vadd.bf16 v6, v19;
	v12 =	vadd.bf16 v17, v12;
	v11 =	vld [tilespmem:s14+$0xFFFFF970]  }
0x12a: {  	v14 =	vadd.bf16 v15, v14;
	v5 =	vadd.bf16 v5, v9;
	v13 =	vld [tilespmem:s14+$0xFFFFF9F0]  }
0x12b: {  	v7 =	vadd.bf16 v7, v10;
	v8 =	vadd.bf16 v8, v16;
	v9 =	vld [tilespmem:s14+$0xFFFFFA70]  }
0x12c: {  	v15 =	vadd.bf16 v21, v18;
	v10 =	vld [tilespmem:s14+$0xFFFFFAF0];
	v16 =	vadd.bf16 v23, v22  }
0x12d: {  	s10 =	sadd.s32 $0x40, s10;
	v6 =	vadd.bf16 v12, v6;
	v5 =	vadd.bf16 v5, v14;
	v17 =	vld [tilespmem:s14+$0xFFFFFB70]  }
0x12e: {  	s15 =	sadd.s32 $0xFFFFFFE0, s10;
	v14 =	vor.u32 s10, v0;
	v7 =	vadd.bf16 v8, v7;
	v12 =	vld [tilespmem:s14+$0xFFFFFBF0];
	v8 =	vadd.bf16 v16, v15  }
0x12f: {  	v14 =	vand.u32 $0x7E, v14;
	v18 =	vor.u32 s10, v1;
	v16 =	vmov s10;
	v15 =	vld [tilespmem:s14+$0xFFFFFC70]  }
0x130: {  	v5 =	vadd.bf16 v5, v6;
	v19 =	vld [tilespmem:s14+$0xFFFFFCF0];
	v6 =	vadd.bf16 v8, v7;
	v7 =	vshll.u32 v16, $0x3  }
0x131: {  	v8 =	vor.u32 v14, v3;
	v14 =	vand.u32 $0x7F, v18;
	v16 =	vld [tilespmem:s14+$0xFFFFFD70];
	v7 =	vand.u32 $0x400, v7  }
0x132: {  	v18 =	vld [tilespmem:s14+$0xFFFFFDF0];
	v20 =	vadd.bf16 v6, v5;
	v21 =	vor.u32 v7, v8;
	v6 =	vor.u32 v14, v3  }
.Ltmp11:
0x133: {  	v5 =	vadd.bf16 v13, v11;
	v13 =	vadd.bf16 v10, v9;
	v8 =	vld [tilespmem:s14+$0xFFFFFE70];
	v6 =	vor.u32 v7, v6;
	(pc) =	sbr.rel @p0 .LBB2_17-.Ltmp11, $4  }
0x134: {  	v11 =	vmov s15;
	v7 =	vadd.bf16 v12, v17;
	v10 =	vld [tilespmem:s14+$0xFFFFFEF0];
	v14 =	vunpack.i.l.bf16.f32 v20  }
0x135: {  	v9 =	vld [tilespmem:s14+$0xFFFFFF70];
	v12 =	vadd.bf16 v19, v15;
	v15 =	vunpack.i.u.bf16.f32 v20;
	v19 =	vmul.f32 v14, v2  }
0x136: {  	v17 =	vor.u32 s15, v0;
	v7 =	vadd.bf16 v7, v13;
	v14 =	vld [tilespmem:s14+$0xFFFFFFF0];
	v13 =	vmul.f32 v15, v2  }
0x137: {  	v17 =	vand.u32 $0x5E, v17;
	v15 =	vld [tilespmem:s14+$0xFFFFF870];
	v16 =	vadd.bf16 v18, v16;
	v18 =	vor.u32 s15, v1;
	[tilespmem:v21+s20+$0x0] =	vst.idx.msk $0xffff, v19;
	s14 =	sadd.s32 $0x20, s14  }
0x138: {  	_ =	sdelay $0x2  }
0x139: {  	v8 =	vadd.bf16 v10, v8  }
0x13a: {  	v9 =	vadd.bf16 v14, v9;
	v4 =	vadd.bf16 v4, v15  }
0x13b: {  	v59 =	vadd.bf16 v16, v12  }
0x13c: {  	v8 =	vadd.bf16 v9, v8;
	v4 =	vadd.bf16 v5, v4;
	_ =	sdelay $0x1  }
0x13d: {  	v60 =	vshll.u32 v11, $0x3;
	v8 =	vadd.bf16 v8, v59;
	v4 =	vadd.bf16 v7, v4  }
0x13e: {  	v61 =	vor.u32 v17, v3;
	v62 =	vand.u32 $0x5F, v18;
	v5 =	vand.u32 $0x400, v60  }
0x13f: {  	s1 =	sadd.s32 $0x1, s1;
	v3 =	vor.u32 v62, v3;
	v7 =	vor.u32 v5, v61;
	v4 =	vadd.bf16 v8, v4  }
0x140: {  	p0 =	sne.s32 s1, $0x8;
	v3 =	vor.u32 v5, v3  }
.Ltmp12:
0x141: {  	v63 =	vunpack.i.l.bf16.f32 v4;
	(pc) =	sbr.rel @p0 .LBB2_16-.Ltmp12, $4  }
0x142: {  	v4 =	vunpack.i.u.bf16.f32 v4;
	v5 =	vmul.f32 v63, v2  }
0x143: {  	[tilespmem:v6+s20+$0x0] =	vst.idx.msk $0xffff, v13;
	v4 =	vmul.f32 v4, v2  }
0x144: {  	[tilespmem:v7+s20+$0x0] =	vst.idx.msk $0xffff, v5  }
0x145: {  	s0 =	sadd.s32 $0x800, s0;
	[tilespmem:v3+s20+$0x0] =	vst.idx.msk $0xffff, v4  }
0x146: {  	s0 =	sadd.s32 s6, s31  }
0x147: {  	s0 =	sshll.u32 s0, $0x8  }
0x148: {  	s0 =	sadd.s32 s2, s0  }
0x149: {  	[hbm4b:s0+s3] =	stream.linear.scatter [tilespmem:s20], [sflag:$0x5], $0x800, $0x38;
	[tilespmem:$0x12480] =	vst v63  }
0x14a: {  	s0 =	sadd.s32 $0x6, s30  }
0x14b: {  	p0 =	sge.s32 s0, s7  }
0x14c: {  	s0 =	sshll.u32 @!p0 s0, $0x7  }
0x14d: {  	s1 =	simm.s32 @!p0 $0x80;
	s10 =	simm.s32 @!p0 $0x9400;
	s0 =	sand.u32 @!p0 $0x3FFFFF80, s0  }
0x14e: {  	[tilespmem:s10], [sflag:$0x3] =	stream.indirect.gather @!p0 [hbm4b:s4+s1], $0x80, s0, s1, $0xb8;
	[tilespmem:$0x12480] =	vst v63  }
.LBB2_20:
0x14f: {  	s31 =	sor.u32 $0x3, s30  }
0x150: {  	p0 =	sge.s32 s31, s7  }
.Ltmp13:
0x151: {  	_ = 	snop;
	(pc) =	sbr.rel @p0 .LBB2_26-.Ltmp13, $1  }
0x152: {  	_ =	sdelay $0x3  }
0x153: {  	_ =	swait.ge [sflag:s25], $0x4000  }
0x154: {  	[sflag:s25] =	ssyncset.done $0x0  }
0x155: {  	[sflag:s25] =	ssyncadd.s32 $0xFFFFC000  }
0x156: {  	_ =	swait.ge [sflag:s26], $0x800  }
0x157: {  	[sflag:s26] =	ssyncset.done $0x0  }
0x158: {  	s1 =	simm.s32 $0x0;
	s0 =	simm.s32 $0xDB90;
	[sflag:s26] =	ssyncadd.s32 $0xFFFFF800  }
.LBB2_22:
0x159: {  	v3 =	vld [tilespmem:s0+$0xFFFFF880]  }
0x15a: {  	v5 =	vld [tilespmem:s0+$0xFFFFF900]  }
0x15b: {  	v6 =	vld [tilespmem:s0+$0xFFFFF980]  }
0x15c: {  	v7 =	vld [tilespmem:s0+$0xFFFFFA00]  }
0x15d: {  	v8 =	vld [tilespmem:s0+$0xFFFFFA80]  }
0x15e: {  	v9 =	vld [tilespmem:s0+$0xFFFFFB00]  }
0x15f: {  	v10 =	vld [tilespmem:s0+$0xFFFFFB80]  }
0x160: {  	v11 =	vld [tilespmem:s0+$0xFFFFFC00]  }
0x161: {  	v12 =	vld [tilespmem:s0+$0xFFFFFC80]  }
0x162: {  	v13 =	vld [tilespmem:s0+$0xFFFFFD00]  }
0x163: {  	v14 =	vld [tilespmem:s0+$0xFFFFFD80]  }
0x164: {  	v15 =	vld [tilespmem:s0+$0xFFFFFE00]  }
0x165: {  	v16 =	vld [tilespmem:s0+$0xFFFFFE80]  }
0x166: {  	v17 =	vld [tilespmem:s0+$0xFFFFFF00]  }
0x167: {  	v18 =	vld [tilespmem:s0+$0xFFFFFF80]  }
0x168: {  	v19 =	vld [tilespmem:s0+$0x0]  }
0x169: {  	v4 =	vld [tilespmem:s0+$0xFFFFF8F0];
	v5 =	vadd.bf16 v5, v3  }
0x16a: {  	v20 =	vld [tilespmem:s0+$0xFFFFF970];
	v6 =	vadd.bf16 v7, v6;
	v8 =	vadd.bf16 v9, v8  }
0x16b: {  	v7 =	vld [tilespmem:s0+$0xFFFFF9F0];
	v9 =	vadd.bf16 v11, v10;
	v11 =	vadd.bf16 v13, v12  }
0x16c: {  	s10 =	simm.s32 $0x20;
	v3 =	vmov s1;
	v10 =	vld [tilespmem:s0+$0xFFFFFA70];
	v12 =	vadd.bf16 v15, v14;
	v14 =	vadd.bf16 v17, v16  }
0x16d: {  	v13 =	vld [tilespmem:s0+$0xFFFFFAF0];
	v15 =	vadd.bf16 v19, v18;
	v17 =	vor.u32 s10, v1;
	v3 =	vshll.u32 v3, $0x7  }
0x16e: {  	v16 =	vld [tilespmem:s0+$0xFFFFFB70];
	v3 =	vand.u32 $0x380, v3;
	v5 =	vadd.bf16 v6, v5;
	v6 =	vadd.bf16 v9, v8  }
0x16f: {  	v18 =	vld [tilespmem:s0+$0xFFFFFCF0];
	v8 =	vadd.bf16 v12, v11;
	v11 =	vadd.bf16 v15, v14;
	v12 =	vor.u32 s10, v0  }
0x170: {  	v9 =	vld [tilespmem:s0+$0xFFFFFBF0];
	v15 =	vmov s10;
	v3 =	vbroadcast v3, $0x0;
	v12 =	vand.u32 $0x7E, v12  }
0x171: {  	v14 =	vld [tilespmem:s0+$0xFFFFFC70];
	v5 =	vadd.bf16 v6, v5;
	v6 =	vadd.bf16 v11, v8;
	v8 =	vshll.u32 v15, $0x3  }
0x172: {  	v19 =	vld [tilespmem:s0+$0xFFFFFD70];
	v11 =	vand.u32 $0x400, v8;
	v8 =	vor.u32 v12, v3;
	v12 =	vand.u32 $0x7F, v17  }
0x173: {  	v17 =	vld [tilespmem:s0+$0xFFFFFDF0];
	v15 =	vadd.bf16 v6, v5;
	v21 =	vor.u32 v11, v8;
	v6 =	vor.u32 v12, v3  }
0x174: {  	s14 =	simm.s32 $0x0;
	v8 =	vld [tilespmem:s0+$0xFFFFFE70];
	v5 =	vadd.bf16 v7, v20;
	v7 =	vadd.bf16 v13, v10;
	v6 =	vor.u32 v11, v6  }
0x175: {  	v10 =	vld [tilespmem:s0+$0xFFFFFEF0];
	v13 =	vadd.bf16 v9, v16;
	v11 =	vmov s14;
	v16 =	vunpack.i.l.bf16.f32 v15  }
0x176: {  	v9 =	vld [tilespmem:s0+$0xFFFFFF70];
	v12 =	vadd.bf16 v18, v14;
	v15 =	vunpack.i.u.bf16.f32 v15;
	v20 =	vmul.f32 v16, v2  }
0x177: {  	v14 =	vld [tilespmem:s0+$0xFFFFFFF0];
	v18 =	vor.u32 s14, v0;
	v7 =	vadd.bf16 v13, v7;
	v13 =	vmul.f32 v15, v2  }
0x178: {  	s13 =	simm.s32 $0x0;
	v15 =	vld [tilespmem:s0+$0xFFFFF870];
	v16 =	vadd.bf16 v17, v19;
	v17 =	vand.u32 $0x5E, v18;
	v18 =	vor.u32 s14, v1;
	s14 =	sadd.s32 $0x20, s0;
	[tilespmem:v21+s22+$0x0] =	vst.idx.msk $0xffff, v20  }
.LBB2_23:
0x179: {  	v19 =	vld [tilespmem:s14+$0xFFFFF880];
	v11 =	vshll.u32 v11, $0x3;
	v17 =	vor.u32 v17, v3;
	v18 =	vand.u32 $0x5F, v18;
	[tilespmem:v6+s22+$0x0] =	vst.idx.msk $0xffff, v13  }
0x17a: {  	v6 =	vld [tilespmem:s14+$0xFFFFF900];
	v8 =	vadd.bf16 v10, v8;
	v10 =	vadd.bf16 v16, v12;
	v11 =	vand.u32 $0x400, v11  }
0x17b: {  	v16 =	vor.u32 v18, v3;
	v12 =	vld [tilespmem:s14+$0xFFFFF980];
	v13 =	vor.u32 v11, v17  }
0x17c: {  	v11 =	vor.u32 v11, v16;
	v17 =	vld [tilespmem:s14+$0xFFFFFA00];
	v9 =	vadd.bf16 v14, v9  }
0x17d: {  	v14 =	vld [tilespmem:s14+$0xFFFFFA80];
	v4 =	vadd.bf16 v4, v15  }
0x17e: {  	v15 =	vld [tilespmem:s14+$0xFFFFFB00];
	v8 =	vadd.bf16 v9, v8  }
0x17f: {  	v9 =	vld [tilespmem:s14+$0xFFFFFB80];
	v4 =	vadd.bf16 v5, v4  }
0x180: {  	v5 =	vld [tilespmem:s14+$0xFFFFFC00];
	v8 =	vadd.bf16 v8, v10  }
0x181: {  	v10 =	vld [tilespmem:s14+$0xFFFFFC80];
	v4 =	vadd.bf16 v7, v4  }
0x182: {  	v7 =	vld [tilespmem:s14+$0xFFFFFD00]  }
0x183: {  	v16 =	vld [tilespmem:s14+$0xFFFFFD80];
	v4 =	vadd.bf16 v8, v4  }
0x184: {  	v8 =	vld [tilespmem:s14+$0xFFFFFE00]  }
0x185: {  	v18 =	vld [tilespmem:s14+$0xFFFFFE80];
	v20 =	vunpack.i.u.bf16.f32 v4;
	v4 =	vunpack.i.l.bf16.f32 v4  }
0x186: {  	v21 =	vld [tilespmem:s14+$0xFFFFFF00];
	v4 =	vmul.f32 v4, v2;
	v20 =	vmul.f32 v20, v2  }
0x187: {  	v22 =	vld [tilespmem:s14+$0xFFFFFF80]  }
0x188: {  	v23 =	vld [tilespmem:s14+$0x0];
	[tilespmem:v13+s22+$0x0] =	vst.idx.msk $0xffff, v4  }
0x189: {  	s13 =	sadd.s32 $0x20, s13;
	v4 =	vld [tilespmem:s14+$0xFFFFF8F0];
	[tilespmem:v11+s22+$0x0] =	vst.idx.msk $0xffff, v20  }
0x18a: {  	p0 =	slt.u32 s13, $0x60;
	v6 =	vadd.bf16 v6, v19;
	v12 =	vadd.bf16 v17, v12;
	v11 =	vld [tilespmem:s14+$0xFFFFF970]  }
0x18b: {  	v14 =	vadd.bf16 v15, v14;
	v5 =	vadd.bf16 v5, v9;
	v13 =	vld [tilespmem:s14+$0xFFFFF9F0]  }
0x18c: {  	v7 =	vadd.bf16 v7, v10;
	v8 =	vadd.bf16 v8, v16;
	v9 =	vld [tilespmem:s14+$0xFFFFFA70]  }
0x18d: {  	v15 =	vadd.bf16 v21, v18;
	v10 =	vld [tilespmem:s14+$0xFFFFFAF0];
	v16 =	vadd.bf16 v23, v22  }
0x18e: {  	s10 =	sadd.s32 $0x40, s10;
	v6 =	vadd.bf16 v12, v6;
	v5 =	vadd.bf16 v5, v14;
	v17 =	vld [tilespmem:s14+$0xFFFFFB70]  }
0x18f: {  	s15 =	sadd.s32 $0xFFFFFFE0, s10;
	v14 =	vor.u32 s10, v0;
	v7 =	vadd.bf16 v8, v7;
	v12 =	vld [tilespmem:s14+$0xFFFFFBF0];
	v8 =	vadd.bf16 v16, v15  }
0x190: {  	v14 =	vand.u32 $0x7E, v14;
	v18 =	vor.u32 s10, v1;
	v16 =	vmov s10;
	v15 =	vld [tilespmem:s14+$0xFFFFFC70]  }
0x191: {  	v5 =	vadd.bf16 v5, v6;
	v19 =	vld [tilespmem:s14+$0xFFFFFCF0];
	v6 =	vadd.bf16 v8, v7;
	v7 =	vshll.u32 v16, $0x3  }
0x192: {  	v8 =	vor.u32 v14, v3;
	v14 =	vand.u32 $0x7F, v18;
	v16 =	vld [tilespmem:s14+$0xFFFFFD70];
	v7 =	vand.u32 $0x400, v7  }
0x193: {  	v18 =	vld [tilespmem:s14+$0xFFFFFDF0];
	v20 =	vadd.bf16 v6, v5;
	v21 =	vor.u32 v7, v8;
	v6 =	vor.u32 v14, v3  }
.Ltmp14:
0x194: {  	v5 =	vadd.bf16 v13, v11;
	v13 =	vadd.bf16 v10, v9;
	v8 =	vld [tilespmem:s14+$0xFFFFFE70];
	v6 =	vor.u32 v7, v6;
	(pc) =	sbr.rel @p0 .LBB2_23-.Ltmp14, $4  }
0x195: {  	v11 =	vmov s15;
	v7 =	vadd.bf16 v12, v17;
	v10 =	vld [tilespmem:s14+$0xFFFFFEF0];
	v14 =	vunpack.i.l.bf16.f32 v20  }
0x196: {  	v9 =	vld [tilespmem:s14+$0xFFFFFF70];
	v12 =	vadd.bf16 v19, v15;
	v15 =	vunpack.i.u.bf16.f32 v20;
	v19 =	vmul.f32 v14, v2  }
0x197: {  	v17 =	vor.u32 s15, v0;
	v7 =	vadd.bf16 v7, v13;
	v14 =	vld [tilespmem:s14+$0xFFFFFFF0];
	v13 =	vmul.f32 v15, v2  }
0x198: {  	v17 =	vand.u32 $0x5E, v17;
	v15 =	vld [tilespmem:s14+$0xFFFFF870];
	v16 =	vadd.bf16 v18, v16;
	v18 =	vor.u32 s15, v1;
	[tilespmem:v21+s22+$0x0] =	vst.idx.msk $0xffff, v19;
	s14 =	sadd.s32 $0x20, s14  }
0x199: {  	_ =	sdelay $0x2  }
0x19a: {  	v8 =	vadd.bf16 v10, v8  }
0x19b: {  	v9 =	vadd.bf16 v14, v9;
	v4 =	vadd.bf16 v4, v15  }
0x19c: {  	v59 =	vadd.bf16 v16, v12  }
0x19d: {  	v8 =	vadd.bf16 v9, v8;
	v4 =	vadd.bf16 v5, v4;
	_ =	sdelay $0x1  }
0x19e: {  	v60 =	vshll.u32 v11, $0x3;
	v8 =	vadd.bf16 v8, v59;
	v4 =	vadd.bf16 v7, v4  }
0x19f: {  	v61 =	vor.u32 v17, v3;
	v62 =	vand.u32 $0x5F, v18;
	v5 =	vand.u32 $0x400, v60  }
0x1a0: {  	s1 =	sadd.s32 $0x1, s1;
	v3 =	vor.u32 v62, v3;
	v7 =	vor.u32 v5, v61;
	v4 =	vadd.bf16 v8, v4  }
0x1a1: {  	p0 =	sne.s32 s1, $0x8;
	v3 =	vor.u32 v5, v3  }
.Ltmp15:
0x1a2: {  	v63 =	vunpack.i.l.bf16.f32 v4;
	(pc) =	sbr.rel @p0 .LBB2_22-.Ltmp15, $4  }
0x1a3: {  	v4 =	vunpack.i.u.bf16.f32 v4;
	v5 =	vmul.f32 v63, v2  }
0x1a4: {  	[tilespmem:v6+s22+$0x0] =	vst.idx.msk $0xffff, v13;
	v4 =	vmul.f32 v4, v2  }
0x1a5: {  	[tilespmem:v7+s22+$0x0] =	vst.idx.msk $0xffff, v5  }
0x1a6: {  	s0 =	sadd.s32 $0x800, s0;
	[tilespmem:v3+s22+$0x0] =	vst.idx.msk $0xffff, v4  }
0x1a7: {  	s0 =	sadd.s32 s6, s31  }
0x1a8: {  	s0 =	sshll.u32 s0, $0x8  }
0x1a9: {  	s0 =	sadd.s32 s2, s0  }
0x1aa: {  	[hbm4b:s0+s3] =	stream.linear.scatter [tilespmem:s22], [sflag:$0x6], $0x800, $0x38;
	[tilespmem:$0x12480] =	vst v63  }
.Ltmp16:
0x1ab: {  	s0 =	sadd.s32 $0x7, s30;
	(pc) =	sbr.rel .LBB2_26-.Ltmp16, $4  }
0x1ac: {  	p0 =	sge.s32 s0, s7  }
0x1ad: {  	s0 =	sshll.u32 @!p0 s0, $0x7  }
0x1ae: {  	s1 =	simm.s32 @!p0 $0x80;
	s10 =	simm.s32 @!p0 $0xD400;
	s0 =	sand.u32 @!p0 $0x3FFFFF80, s0  }
0x1af: {  	[tilespmem:s10], [sflag:$0x4] =	stream.indirect.gather @!p0 [hbm4b:s4+s1], $0x80, s0, s1, $0xb8;
	[tilespmem:$0x12480] =	vst v63  }
.LBB2_28:
0x1b0: {  	_ =	sfence.sel $0x180000  }
0x1b1: {  	[bflag:$0x0] =	sbarrier.arrive $0xFFFF  }
0x1b2: {  	_ =	strace $0x90000047  }
0x1b3: {  	s0 =	stileid.u32;
	[bflag:$0x2] =	sbarrier.arrive $0xFFFF  }
0x1b4: {  	p0 =	sne.s32 s0, $0x0;
	s0 =	rddreg [dreg:$0x2]  }
0x1b5: {  	s0 =	sadd.s32 @!p0 $0x100000, s0  }
0x1b6: {  	[sflag:s0] =	ssyncadd.tile.s32 @!p0 $0x1;
	_ =	shalt  }
.Lfunc_end2:
_tile_overlayer_lowered:
.L_overlay_start_2:
0x1b7: {  	(tag) =	ssettag $0x2  }
0x1b8: {  	s0 =	rddreg [dreg:$0x0];
	s2 =	stileid.u32  }
0x1b9: {  	s1 =	rddreg [dreg:$0x1];
	p0 =	sne.s32 s2, $0x0  }
0x1ba: {  	s3 =	rddreg [dreg:$0x2];
	[bflag:$0x3] =	sbarrier.arrive $0xFFFF;
	s2 =	simm.s32 @!p0 $0x1C07  }
0x1bb: {  	[timem:s3], [sflag:s2] =	dma.local @!p0 [hbm:s0], s1  }
0x1bc: {  	s0 =	simm.s32 @!p0 $0x7  }
0x1bd: {  	_ =	swait.ge @!p0 [sflag:s0], s1  }
0x1be: {  	s1 =	ssub.s32 @!p0 $0x0, s1;
	[sflag:s0] =	ssyncset.done @!p0 $0x0  }
0x1bf: {  	[sflag:s0] =	ssyncadd.s32 @!p0 s1  }
0x1c0: {  	[bflag:$0x3] =	sbarrier.arrive $0xFFFF  }
0x1c1: {  	_ =	shalt  }

</sc_bundles>
